<compile_context>
chip_gen: v7x
topology: tpu7x:2x2x1
jax: 0.10.2.dev20260603
libtpu: 0.0.44.dev20260713+nightly
codegen_flags: <defaults>
</compile_context>

<pallas_src>
import functools

import jax
import jax.numpy as jnp
from jax import lax
from jax.experimental import pallas as pl
from jax.experimental.pallas import tpu as pltpu
from jax.experimental.pallas import tpu_sc as plsc

B = 16384
D = 64
H = 128

_NC = 2
_NS = 16
_NW = _NC * _NS
_CHUNK = 128
_ROWS = B // _CHUNK
_RPW = _ROWS // _NW

_FBLK = 8192
_NV = 1000000
_NP = 100000
_KV = (_NV // 2 // _FBLK) * _FBLK
_KP = (_NP // 2 // _FBLK) * _FBLK
_MV = _NV - _KV
_MP = _NP - _KP


def _sc_gather3(p_idx2, w_idx2, l_idx2, pv, vv):
    mesh = plsc.VectorSubcoreMesh(
        core_axis_name="c", subcore_axis_name="s",
        num_cores=_NC, num_subcores=_NS)

    out_t = jax.ShapeDtypeStruct((_ROWS, _CHUNK, H), jnp.uint32)

    @functools.partial(
        pl.kernel,
        out_type=(out_t, out_t, out_t),
        mesh=mesh,
        scratch_types=[
            pltpu.VMEM((_RPW, _CHUNK), jnp.int32),
            pltpu.VMEM((_RPW, _CHUNK), jnp.int32),
            pltpu.VMEM((_RPW, _CHUNK), jnp.int32),
            pltpu.VMEM((2, _CHUNK, H), jnp.uint32),
            pltpu.VMEM((2, _CHUNK, H), jnp.uint32),
            pltpu.VMEM((2, _CHUNK, H), jnp.uint32),
            pltpu.SemaphoreType.DMA,
            pltpu.SemaphoreType.DMA,
        ],
    )
    def gather_kernel(p_idx_hbm, w_idx_hbm, l_idx_hbm, pv_hbm, vv_hbm,
                      out_p, out_w, out_l,
                      pidx_v, widx_v, lidx_v, pbuf, wbuf, lbuf, gsem, osem):
        wid = lax.axis_index("s") * _NC + lax.axis_index("c")
        base = wid * _RPW
        pltpu.sync_copy(p_idx_hbm.at[pl.ds(base, _RPW)], pidx_v)
        pltpu.sync_copy(w_idx_hbm.at[pl.ds(base, _RPW)], widx_v)
        pltpu.sync_copy(l_idx_hbm.at[pl.ds(base, _RPW)], lidx_v)
        tabs = ((pv_hbm, pidx_v, pbuf, out_p),
                (vv_hbm, widx_v, wbuf, out_w),
                (vv_hbm, lidx_v, lbuf, out_l))
        for wave in range(_RPW // 2):
            gs = []
            for tab, idxv, buf, _ in tabs:
                for k in range(2):
                    j = 2 * wave + k
                    gs.append(pltpu.async_copy(
                        tab.at[idxv.at[j]], buf.at[k], gsem))
            for g in gs:
                g.wait()
            os_ = []
            for _, _, buf, out in tabs:
                for k in range(2):
                    j = 2 * wave + k
                    os_.append(pltpu.async_copy(
                        buf.at[k], out.at[base + j], osem))
            for o in os_:
                o.wait()

    return gather_kernel(p_idx2, w_idx2, l_idx2, pv, vv)


_BLK = 4096
_INV_SQRT2 = 0.7071067811865476


def _gelu(x):
    return 0.5 * x * (1.0 + lax.erf(x * _INV_SQRT2))


def _tdot(xt, w):
    return lax.dot_general(xt, w, (((0,), (0,)), ((), ())),
                           preferred_element_type=jnp.float32)


_GV = -(-_MV // _FBLK)
_GP = -(-_MP // _FBLK)


def _pack(xlo, xhi, w):
    w16 = w.astype(jnp.bfloat16)
    lo = _tdot(xlo.astype(jnp.bfloat16),
               w16).astype(jnp.bfloat16).astype(jnp.float32)
    hi = _tdot(xhi.astype(jnp.bfloat16),
               w16).astype(jnp.bfloat16).astype(jnp.float32)
    lob = lax.bitcast_convert_type(lo, jnp.uint32) >> 16
    hib = lax.bitcast_convert_type(hi, jnp.uint32) & jnp.uint32(0xFFFF0000)
    return lob | hib


def _fold_body(vlo_ref, vhi_ref, plo_ref, phi_ref, wb_ref, wa_ref,
               vv_ref, pv_ref):
    step = pl.program_id(0)

    @pl.when(step < _GV)
    def _():
        vv_ref[...] = _pack(vlo_ref[...], vhi_ref[...], wb_ref[...])

    @pl.when(step >= _GV)
    def _():
        pv_ref[...] = _pack(plo_ref[...], phi_ref[...], wa_ref[...])


def _fold2(video_t, prompt_t, w1b, w1a):
    kv = _KV // _FBLK
    kp = _KP // _FBLK
    vb = lambda i: jnp.minimum(i, _GV - 1)
    pb = lambda i: jnp.clip(i - _GV, 0, _GP - 1)
    return pl.pallas_call(
        _fold_body,
        grid=(_GV + _GP,),
        in_specs=[pl.BlockSpec((D, _FBLK), lambda i: (0, vb(i))),
                  pl.BlockSpec((D, _FBLK), lambda i: (0, vb(i) + kv)),
                  pl.BlockSpec((D, _FBLK), lambda i: (0, pb(i))),
                  pl.BlockSpec((D, _FBLK), lambda i: (0, pb(i) + kp)),
                  pl.BlockSpec((D, H), lambda i: (0, 0)),
                  pl.BlockSpec((D, H), lambda i: (0, 0))],
        out_specs=[pl.BlockSpec((_FBLK, H), lambda i: (vb(i), 0)),
                   pl.BlockSpec((_FBLK, H), lambda i: (pb(i), 0))],
        out_shape=[jax.ShapeDtypeStruct((_MV, H), jnp.uint32),
                   jax.ShapeDtypeStruct((_MP, H), jnp.uint32)],
        compiler_params=pltpu.CompilerParams(
            dimension_semantics=("arbitrary",),
            fuse_transposed_lhs_in_matmul=True),
    )(video_t, video_t, prompt_t, prompt_t, w1b, w1a)


def _tail_body(pf_ref, vw_ref, vl_ref, ph_ref, wh_ref, lh_ref,
               b1_ref, w2_ref, b2_ref, w3_ref, b3_ref, rw_ref, rl_ref):
    def unpack(x_ref, h_ref):
        x = x_ref[...]
        hi_sel = h_ref[...]
        lo = lax.bitcast_convert_type(x << 16, jnp.float32)
        hi = lax.bitcast_convert_type(x & jnp.uint32(0xFFFF0000),
                                      jnp.float32)
        return jnp.where(hi_sel == 1, hi, lo)

    pa = unpack(pf_ref, ph_ref) + b1_ref[...]
    w2 = w2_ref[...]
    b2 = b2_ref[...]
    w3 = w3_ref[...]
    b3 = b3_ref[0, 0]
    for v_ref, h_ref, out_ref in ((vw_ref, wh_ref, rw_ref),
                                  (vl_ref, lh_ref, rl_ref)):
        h = _gelu(pa + unpack(v_ref, h_ref))
        h = jnp.dot(h, w2, preferred_element_type=jnp.float32) + b2
        h = _gelu(h)
        out_ref[...] = jnp.sum(h * w3, axis=1) + b3


def _mlp_tail(pf, vwf, vlf, ph, wh, lh, b1, W2, b2, W3, b3):
    b1r = b1.reshape(1, H)
    b2r = b2.reshape(1, H)
    w3r = W3.reshape(1, H)
    b3r = b3.reshape(1, 1)
    grid = (B // _BLK,)
    row_spec = pl.BlockSpec((_BLK, H), lambda i: (i, 0))
    h_spec = pl.BlockSpec((_BLK, 1), lambda i: (i, 0))
    full = lambda shape: pl.BlockSpec(shape, lambda i: (0,) * len(shape))
    return pl.pallas_call(
        _tail_body,
        grid=grid,
        in_specs=[
            row_spec, row_spec, row_spec,
            h_spec, h_spec, h_spec,
            full((1, H)), full((H, H)), full((1, H)), full((1, H)),
            full((1, 1)),
        ],
        out_specs=[pl.BlockSpec((_BLK,), lambda i: (i,)),
                   pl.BlockSpec((_BLK,), lambda i: (i,))],
        out_shape=[jax.ShapeDtypeStruct((B,), jnp.float32),
                   jax.ShapeDtypeStruct((B,), jnp.float32)],
        compiler_params=pltpu.CompilerParams(
            dimension_semantics=("parallel",)),
    )(pf, vwf, vlf, ph, wh, lh, b1r, W2, b2r, w3r, b3r)


def _split_idx(idx, k_split):
    hi = (idx >= k_split).astype(jnp.int32)
    g = idx - hi * k_split
    return g.reshape(_ROWS, _CHUNK), hi.reshape(B, 1)


def kernel(prompt_idx, preferred_idx, rejected_idx, video_emb, prompt_emb,
           W1, b1, W2, b2, W3, b3):
    vv, pv = _fold2(video_emb.T, prompt_emb.T, W1[D:], W1[:D])
    p_idx2, ph = _split_idx(prompt_idx, _KP)
    w_idx2, wh = _split_idx(preferred_idx, _KV)
    l_idx2, lh = _split_idx(rejected_idx, _KV)
    p3, vw3, vl3 = _sc_gather3(p_idx2, w_idx2, l_idx2, pv, vv)
    pf = p3.reshape(B, H)
    vwf = vw3.reshape(B, H)
    vlf = vl3.reshape(B, H)
    r_w, r_l = _mlp_tail(pf, vwf, vlf, ph, wh, lh, b1, W2, b2, W3, b3)
    return (r_w, r_l)

# --- scband reference (transcript-rebuilt; emitter-appended) ---
"""Pipeline reference for scband-reward-model-16819091931370 (READ-ONLY COPY).

The authoritative reference and input builder live on the scoring server;
editing this copy changes nothing except your own understanding.
"""

import jax, jax.numpy as jnp
import numpy as np

N_VIDEOS = 1000000
N_PROMPTS = 100000
D = 64
H = 128
B = 16384


def setup_inputs(seed: int = 0) -> dict:
    key = jax.random.key(seed)
    ks = jax.random.split(key, 12)
    return {
        'prompt_idx': jax.random.randint(ks[0], (B,), 0, N_PROMPTS, dtype=jnp.int32),
        'preferred_idx': jax.random.randint(ks[1], (B,), 0, N_VIDEOS, dtype=jnp.int32),
        'rejected_idx': jax.random.randint(ks[2], (B,), 0, N_VIDEOS, dtype=jnp.int32),
        'video_emb': jax.random.normal(ks[3], (N_VIDEOS, D), dtype=jnp.float32) * 0.02,
        'prompt_emb': jax.random.normal(ks[4], (N_PROMPTS, D), dtype=jnp.float32) * 0.02,
        'W1': jax.random.normal(ks[5], (2 * D, H), dtype=jnp.float32) * (1.0 / np.sqrt(2 * D)),
        'b1': jnp.zeros((H,), dtype=jnp.float32),
        'W2': jax.random.normal(ks[6], (H, H), dtype=jnp.float32) * (1.0 / np.sqrt(H)),
        'b2': jnp.zeros((H,), dtype=jnp.float32),
        'W3': jax.random.normal(ks[7], (H, 1), dtype=jnp.float32) * (1.0 / np.sqrt(H)),
        'b3': jnp.zeros((1,), dtype=jnp.float32),
    }


def _score(prompt_emb, video_emb, W1, b1, W2, b2, W3, b3, p_idx, v_idx):
    p = jnp.take(prompt_emb, p_idx, axis=0)
    v = jnp.take(video_emb, v_idx, axis=0)
    h = jnp.concatenate([p, v], axis=-1)
    h = jax.nn.gelu(h @ W1 + b1, approximate=False)
    h = jax.nn.gelu(h @ W2 + b2, approximate=False)
    return (h @ W3 + b3).squeeze(-1)


def reference(prompt_idx, preferred_idx, rejected_idx, video_emb, prompt_emb, W1, b1, W2, b2, W3, b3):
    r_w = _score(prompt_emb, video_emb, W1, b1, W2, b2, W3, b3, prompt_idx, preferred_idx)
    r_l = _score(prompt_emb, video_emb, W1, b1, W2, b2, W3, b3, prompt_idx, rejected_idx)
    return (r_w, r_l)

if __name__ == "__main__":
    import jax
    _d = setup_inputs()
    print(jax.jit(kernel)(*tuple(_d.values())))

</pallas_src>

<mosaic_0001>
#map = affine_map<(d0, d1) -> (0, 0)>
#map1 = affine_map<(d0, d1) -> (0, 0, 0)>
module attributes {stable_mosaic.version = 14 : i64} {
  func.func @gather_kernel(%arg0: i32, %arg1: i32, %arg2: memref<128x128xi32, #tpu.memory_space<hbm>>, %arg3: memref<128x128xi32, #tpu.memory_space<hbm>>, %arg4: memref<128x128xi32, #tpu.memory_space<hbm>>, %arg5: memref<50848x128xi32, #tpu.memory_space<hbm>>, %arg6: memref<500288x128xi32, #tpu.memory_space<hbm>>, %arg7: memref<128x128x128xi32, #tpu.memory_space<hbm>>, %arg8: memref<128x128x128xi32, #tpu.memory_space<hbm>>, %arg9: memref<128x128x128xi32, #tpu.memory_space<hbm>>, %arg10: memref<4x128xi32, #tpu.memory_space<vmem>>, %arg11: memref<4x128xi32, #tpu.memory_space<vmem>>, %arg12: memref<4x128xi32, #tpu.memory_space<vmem>>, %arg13: memref<2x128x128xi32, #tpu.memory_space<vmem>>, %arg14: memref<2x128x128xi32, #tpu.memory_space<vmem>>, %arg15: memref<2x128x128xi32, #tpu.memory_space<vmem>>, %arg16: memref<!tpu.dma_semaphore, #tpu.memory_space<semaphore_mem>>, %arg17: memref<!tpu.dma_semaphore, #tpu.memory_space<semaphore_mem>>) attributes {dimension_semantics = [#tpu.dimension_semantics<core_parallel>, #tpu.dimension_semantics<subcore_parallel>], iteration_bounds = array<i64: 2, 16>, scalar_prefetch = 0 : i64, scratch_operands = 8 : i64, tpu.core_type = #tpu.core_type<sc_vector_subcore>, window_params = [{transform_indices = #map}, {transform_indices = #map}, {transform_indices = #map}, {transform_indices = #map}, {transform_indices = #map}, {transform_indices = #map1}, {transform_indices = #map1}, {transform_indices = #map1}]} {
    %mul3A = arith.constant 2 : i32
    %mul3A_0 = arith.muli %arg1, %mul3A : i32
    %add3A = arith.addi %mul3A_0, %arg0 : i32
    %mul3A_1 = arith.constant 4 : i32
    %mul3A_2 = arith.muli %add3A, %mul3A_1 : i32
    "tpu.region"() ({
      %run_scoped3A = tpu.sem_alloc : memref<!tpu.dma_semaphore, #tpu.memory_space<semaphore_mem>>
      %dma_start3A_721 = arith.constant 0 : i32
      %dma_start3A_722 = tpu.memref_slice %arg2[%mul3A_2, %dma_start3A_721] : memref<128x128xi32, #tpu.memory_space<hbm>> -> memref<4x128xi32, #tpu.memory_space<hbm>>
      %dma_start3A_723 = arith.constant 0 : i32
      %dma_start3A_724 = tpu.memref_slice %arg2[%mul3A_2, %dma_start3A_723] : memref<128x128xi32, #tpu.memory_space<hbm>> -> memref<4x128xi32, #tpu.memory_space<hbm>>
      tpu.enqueue_dma source(%dma_start3A_724 : memref<4x128xi32, #tpu.memory_space<hbm>>) target(%arg10 : memref<4x128xi32, #tpu.memory_space<vmem>>) target_semaphore(%run_scoped3A : memref<!tpu.dma_semaphore, #tpu.memory_space<semaphore_mem>>)
      %dma_wait3A_725 = arith.constant 0 : i32
      %dma_wait3A_726 = tpu.memref_slice %arg2[%mul3A_2, %dma_wait3A_725] : memref<128x128xi32, #tpu.memory_space<hbm>> -> memref<4x128xi32, #tpu.memory_space<hbm>>
      %dma_wait3A_727 = arith.constant 0 : i32
      %dma_wait3A_728 = tpu.memref_slice %arg2[%mul3A_2, %dma_wait3A_727] : memref<128x128xi32, #tpu.memory_space<hbm>> -> memref<4x128xi32, #tpu.memory_space<hbm>>
      tpu.wait_dma2 semaphore(%run_scoped3A : memref<!tpu.dma_semaphore, #tpu.memory_space<semaphore_mem>>) src(%dma_wait3A_728 : memref<4x128xi32, #tpu.memory_space<hbm>>) dst(%arg10 : memref<4x128xi32, #tpu.memory_space<vmem>>)
      tpu.yield
    }) : () -> ()
    "tpu.region"() ({
      %run_scoped3A = tpu.sem_alloc : memref<!tpu.dma_semaphore, #tpu.memory_space<semaphore_mem>>
      %dma_start3A_721 = arith.constant 0 : i32
      %dma_start3A_722 = tpu.memref_slice %arg3[%mul3A_2, %dma_start3A_721] : memref<128x128xi32, #tpu.memory_space<hbm>> -> memref<4x128xi32, #tpu.memory_space<hbm>>
      %dma_start3A_723 = arith.constant 0 : i32
      %dma_start3A_724 = tpu.memref_slice %arg3[%mul3A_2, %dma_start3A_723] : memref<128x128xi32, #tpu.memory_space<hbm>> -> memref<4x128xi32, #tpu.memory_space<hbm>>
      tpu.enqueue_dma source(%dma_start3A_724 : memref<4x128xi32, #tpu.memory_space<hbm>>) target(%arg11 : memref<4x128xi32, #tpu.memory_space<vmem>>) target_semaphore(%run_scoped3A : memref<!tpu.dma_semaphore, #tpu.memory_space<semaphore_mem>>)
      %dma_wait3A_725 = arith.constant 0 : i32
      %dma_wait3A_726 = tpu.memref_slice %arg3[%mul3A_2, %dma_wait3A_725] : memref<128x128xi32, #tpu.memory_space<hbm>> -> memref<4x128xi32, #tpu.memory_space<hbm>>
      %dma_wait3A_727 = arith.constant 0 : i32
      %dma_wait3A_728 = tpu.memref_slice %arg3[%mul3A_2, %dma_wait3A_727] : memref<128x128xi32, #tpu.memory_space<hbm>> -> memref<4x128xi32, #tpu.memory_space<hbm>>
      tpu.wait_dma2 semaphore(%run_scoped3A : memref<!tpu.dma_semaphore, #tpu.memory_space<semaphore_mem>>) src(%dma_wait3A_728 : memref<4x128xi32, #tpu.memory_space<hbm>>) dst(%arg11 : memref<4x128xi32, #tpu.memory_space<vmem>>)
      tpu.yield
    }) : () -> ()
    "tpu.region"() ({
      %run_scoped3A = tpu.sem_alloc : memref<!tpu.dma_semaphore, #tpu.memory_space<semaphore_mem>>
      %dma_start3A_721 = arith.constant 0 : i32
      %dma_start3A_722 = tpu.memref_slice %arg4[%mul3A_2, %dma_start3A_721] : memref<128x128xi32, #tpu.memory_space<hbm>> -> memref<4x128xi32, #tpu.memory_space<hbm>>
      %dma_start3A_723 = arith.constant 0 : i32
      %dma_start3A_724 = tpu.memref_slice %arg4[%mul3A_2, %dma_start3A_723] : memref<128x128xi32, #tpu.memory_space<hbm>> -> memref<4x128xi32, #tpu.memory_space<hbm>>
      tpu.enqueue_dma source(%dma_start3A_724 : memref<4x128xi32, #tpu.memory_space<hbm>>) target(%arg12 : memref<4x128xi32, #tpu.memory_space<vmem>>) target_semaphore(%run_scoped3A : memref<!tpu.dma_semaphore, #tpu.memory_space<semaphore_mem>>)
      %dma_wait3A_725 = arith.constant 0 : i32
      %dma_wait3A_726 = tpu.memref_slice %arg4[%mul3A_2, %dma_wait3A_725] : memref<128x128xi32, #tpu.memory_space<hbm>> -> memref<4x128xi32, #tpu.memory_space<hbm>>
      %dma_wait3A_727 = arith.constant 0 : i32
      %dma_wait3A_728 = tpu.memref_slice %arg4[%mul3A_2, %dma_wait3A_727] : memref<128x128xi32, #tpu.memory_space<hbm>> -> memref<4x128xi32, #tpu.memory_space<hbm>>
      tpu.wait_dma2 semaphore(%run_scoped3A : memref<!tpu.dma_semaphore, #tpu.memory_space<semaphore_mem>>) src(%dma_wait3A_728 : memref<4x128xi32, #tpu.memory_space<hbm>>) dst(%arg12 : memref<4x128xi32, #tpu.memory_space<vmem>>)
      tpu.yield
    }) : () -> ()
    %dma_start3A = arith.constant 0 : i32
    %dma_start3A_3 = arith.constant 0 : i32
    %dma_start3A_4 = arith.constant 0 : i32
    %dma_start3A_5 = arith.constant 0 : i32
    %dma_start3A_6 = tpu.memref_slice %arg13[%dma_start3A_3, %dma_start3A_4, %dma_start3A_5] : memref<2x128x128xi32, #tpu.memory_space<vmem>> -> memref<1x128x128xi32, #tpu.memory_space<vmem>>
    %dma_start3A_7 = tpu.memref_squeeze %dma_start3A_6 : memref<1x128x128xi32, #tpu.memory_space<vmem>> -> memref<128x128xi32, #tpu.memory_space<vmem>>
    %dma_start3A_8 = arith.constant 0 : i32
    %dma_start3A_9 = tpu.memref_slice %arg10[%dma_start3A, %dma_start3A_8] : memref<4x128xi32, #tpu.memory_space<vmem>> -> memref<1x128xi32, #tpu.memory_space<vmem>>
    %dma_start3A_10 = tpu.memref_squeeze %dma_start3A_9 : memref<1x128xi32, #tpu.memory_space<vmem>> -> memref<128xi32, #tpu.memory_space<vmem>>
    %dma_start3A_11 = arith.constant 0 : i32
    %dma_start3A_12 = arith.constant 0 : i32
    %dma_start3A_13 = tpu.memref_slice %arg5[%dma_start3A_11, %dma_start3A_12] : memref<50848x128xi32, #tpu.memory_space<hbm>> -> memref<50848x128xi32, #tpu.memory_space<hbm>>
    tpu.enqueue_indirect_dma source(%dma_start3A_13 : memref<50848x128xi32, #tpu.memory_space<hbm>>) target(%dma_start3A_7 : memref<128x128xi32, #tpu.memory_space<vmem>>) offsets(%dma_start3A_10 : memref<128xi32, #tpu.memory_space<vmem>>) semaphore(%arg16 : memref<!tpu.dma_semaphore, #tpu.memory_space<semaphore_mem>>)
    %dma_start3A_14 = arith.constant 1 : i32
    %dma_start3A_15 = arith.constant 1 : i32
    %dma_start3A_16 = arith.constant 0 : i32
    %dma_start3A_17 = arith.constant 0 : i32
    %dma_start3A_18 = tpu.memref_slice %arg13[%dma_start3A_15, %dma_start3A_16, %dma_start3A_17] : memref<2x128x128xi32, #tpu.memory_space<vmem>> -> memref<1x128x128xi32, #tpu.memory_space<vmem>>
    %dma_start3A_19 = tpu.memref_squeeze %dma_start3A_18 : memref<1x128x128xi32, #tpu.memory_space<vmem>> -> memref<128x128xi32, #tpu.memory_space<vmem>>
    %dma_start3A_20 = arith.constant 0 : i32
    %dma_start3A_21 = tpu.memref_slice %arg10[%dma_start3A_14, %dma_start3A_20] : memref<4x128xi32, #tpu.memory_space<vmem>> -> memref<1x128xi32, #tpu.memory_space<vmem>>
    %dma_start3A_22 = tpu.memref_squeeze %dma_start3A_21 : memref<1x128xi32, #tpu.memory_space<vmem>> -> memref<128xi32, #tpu.memory_space<vmem>>
    %dma_start3A_23 = arith.constant 0 : i32
    %dma_start3A_24 = arith.constant 0 : i32
    %dma_start3A_25 = tpu.memref_slice %arg5[%dma_start3A_23, %dma_start3A_24] : memref<50848x128xi32, #tpu.memory_space<hbm>> -> memref<50848x128xi32, #tpu.memory_space<hbm>>
    tpu.enqueue_indirect_dma source(%dma_start3A_25 : memref<50848x128xi32, #tpu.memory_space<hbm>>) target(%dma_start3A_19 : memref<128x128xi32, #tpu.memory_space<vmem>>) offsets(%dma_start3A_22 : memref<128xi32, #tpu.memory_space<vmem>>) semaphore(%arg16 : memref<!tpu.dma_semaphore, #tpu.memory_space<semaphore_mem>>)
    %dma_start3A_26 = arith.constant 0 : i32
    %dma_start3A_27 = arith.constant 0 : i32
    %dma_start3A_28 = arith.constant 0 : i32
    %dma_start3A_29 = arith.constant 0 : i32
    %dma_start3A_30 = tpu.memref_slice %arg14[%dma_start3A_27, %dma_start3A_28, %dma_start3A_29] : memref<2x128x128xi32, #tpu.memory_space<vmem>> -> memref<1x128x128xi32, #tpu.memory_space<vmem>>
    %dma_start3A_31 = tpu.memref_squeeze %dma_start3A_30 : memref<1x128x128xi32, #tpu.memory_space<vmem>> -> memref<128x128xi32, #tpu.memory_space<vmem>>
    %dma_start3A_32 = arith.constant 0 : i32
    %dma_start3A_33 = tpu.memref_slice %arg11[%dma_start3A_26, %dma_start3A_32] : memref<4x128xi32, #tpu.memory_space<vmem>> -> memref<1x128xi32, #tpu.memory_space<vmem>>
    %dma_start3A_34 = tpu.memref_squeeze %dma_start3A_33 : memref<1x128xi32, #tpu.memory_space<vmem>> -> memref<128xi32, #tpu.memory_space<vmem>>
    %dma_start3A_35 = arith.constant 0 : i32
    %dma_start3A_36 = arith.constant 0 : i32
    %dma_start3A_37 = tpu.memref_slice %arg6[%dma_start3A_35, %dma_start3A_36] : memref<500288x128xi32, #tpu.memory_space<hbm>> -> memref<500288x128xi32, #tpu.memory_space<hbm>>
    tpu.enqueue_indirect_dma source(%dma_start3A_37 : memref<500288x128xi32, #tpu.memory_space<hbm>>) target(%dma_start3A_31 : memref<128x128xi32, #tpu.memory_space<vmem>>) offsets(%dma_start3A_34 : memref<128xi32, #tpu.memory_space<vmem>>) semaphore(%arg16 : memref<!tpu.dma_semaphore, #tpu.memory_space<semaphore_mem>>)
    %dma_start3A_38 = arith.constant 1 : i32
    %dma_start3A_39 = arith.constant 1 : i32
    %dma_start3A_40 = arith.constant 0 : i32
    %dma_start3A_41 = arith.constant 0 : i32
    %dma_start3A_42 = tpu.memref_slice %arg14[%dma_start3A_39, %dma_start3A_40, %dma_start3A_41] : memref<2x128x128xi32, #tpu.memory_space<vmem>> -> memref<1x128x128xi32, #tpu.memory_space<vmem>>
    %dma_start3A_43 = tpu.memref_squeeze %dma_start3A_42 : memref<1x128x128xi32, #tpu.memory_space<vmem>> -> memref<128x128xi32, #tpu.memory_space<vmem>>
    %dma_start3A_44 = arith.constant 0 : i32
    %dma_start3A_45 = tpu.memref_slice %arg11[%dma_start3A_38, %dma_start3A_44] : memref<4x128xi32, #tpu.memory_space<vmem>> -> memref<1x128xi32, #tpu.memory_space<vmem>>
    %dma_start3A_46 = tpu.memref_squeeze %dma_start3A_45 : memref<1x128xi32, #tpu.memory_space<vmem>> -> memref<128xi32, #tpu.memory_space<vmem>>
    %dma_start3A_47 = arith.constant 0 : i32
    %dma_start3A_48 = arith.constant 0 : i32
    %dma_start3A_49 = tpu.memref_slice %arg6[%dma_start3A_47, %dma_start3A_48] : memref<500288x128xi32, #tpu.memory_space<hbm>> -> memref<500288x128xi32, #tpu.memory_space<hbm>>
    tpu.enqueue_indirect_dma source(%dma_start3A_49 : memref<500288x128xi32, #tpu.memory_space<hbm>>) target(%dma_start3A_43 : memref<128x128xi32, #tpu.memory_space<vmem>>) offsets(%dma_start3A_46 : memref<128xi32, #tpu.memory_space<vmem>>) semaphore(%arg16 : memref<!tpu.dma_semaphore, #tpu.memory_space<semaphore_mem>>)
    %dma_start3A_50 = arith.constant 0 : i32
    %dma_start3A_51 = arith.constant 0 : i32
    %dma_start3A_52 = arith.constant 0 : i32
    %dma_start3A_53 = arith.constant 0 : i32
    %dma_start3A_54 = tpu.memref_slice %arg15[%dma_start3A_51, %dma_start3A_52, %dma_start3A_53] : memref<2x128x128xi32, #tpu.memory_space<vmem>> -> memref<1x128x128xi32, #tpu.memory_space<vmem>>
    %dma_start3A_55 = tpu.memref_squeeze %dma_start3A_54 : memref<1x128x128xi32, #tpu.memory_space<vmem>> -> memref<128x128xi32, #tpu.memory_space<vmem>>
    %dma_start3A_56 = arith.constant 0 : i32
    %dma_start3A_57 = tpu.memref_slice %arg12[%dma_start3A_50, %dma_start3A_56] : memref<4x128xi32, #tpu.memory_space<vmem>> -> memref<1x128xi32, #tpu.memory_space<vmem>>
    %dma_start3A_58 = tpu.memref_squeeze %dma_start3A_57 : memref<1x128xi32, #tpu.memory_space<vmem>> -> memref<128xi32, #tpu.memory_space<vmem>>
    %dma_start3A_59 = arith.constant 0 : i32
    %dma_start3A_60 = arith.constant 0 : i32
    %dma_start3A_61 = tpu.memref_slice %arg6[%dma_start3A_59, %dma_start3A_60] : memref<500288x128xi32, #tpu.memory_space<hbm>> -> memref<500288x128xi32, #tpu.memory_space<hbm>>
    tpu.enqueue_indirect_dma source(%dma_start3A_61 : memref<500288x128xi32, #tpu.memory_space<hbm>>) target(%dma_start3A_55 : memref<128x128xi32, #tpu.memory_space<vmem>>) offsets(%dma_start3A_58 : memref<128xi32, #tpu.memory_space<vmem>>) semaphore(%arg16 : memref<!tpu.dma_semaphore, #tpu.memory_space<semaphore_mem>>)
    %dma_start3A_62 = arith.constant 1 : i32
    %dma_start3A_63 = arith.constant 1 : i32
    %dma_start3A_64 = arith.constant 0 : i32
    %dma_start3A_65 = arith.constant 0 : i32
    %dma_start3A_66 = tpu.memref_slice %arg15[%dma_start3A_63, %dma_start3A_64, %dma_start3A_65] : memref<2x128x128xi32, #tpu.memory_space<vmem>> -> memref<1x128x128xi32, #tpu.memory_space<vmem>>
    %dma_start3A_67 = tpu.memref_squeeze %dma_start3A_66 : memref<1x128x128xi32, #tpu.memory_space<vmem>> -> memref<128x128xi32, #tpu.memory_space<vmem>>
    %dma_start3A_68 = arith.constant 0 : i32
    %dma_start3A_69 = tpu.memref_slice %arg12[%dma_start3A_62, %dma_start3A_68] : memref<4x128xi32, #tpu.memory_space<vmem>> -> memref<1x128xi32, #tpu.memory_space<vmem>>
    %dma_start3A_70 = tpu.memref_squeeze %dma_start3A_69 : memref<1x128xi32, #tpu.memory_space<vmem>> -> memref<128xi32, #tpu.memory_space<vmem>>
    %dma_start3A_71 = arith.constant 0 : i32
    %dma_start3A_72 = arith.constant 0 : i32
    %dma_start3A_73 = tpu.memref_slice %arg6[%dma_start3A_71, %dma_start3A_72] : memref<500288x128xi32, #tpu.memory_space<hbm>> -> memref<500288x128xi32, #tpu.memory_space<hbm>>
    tpu.enqueue_indirect_dma source(%dma_start3A_73 : memref<500288x128xi32, #tpu.memory_space<hbm>>) target(%dma_start3A_67 : memref<128x128xi32, #tpu.memory_space<vmem>>) offsets(%dma_start3A_70 : memref<128xi32, #tpu.memory_space<vmem>>) semaphore(%arg16 : memref<!tpu.dma_semaphore, #tpu.memory_space<semaphore_mem>>)
    %dma_wait3A = arith.constant 0 : i32
    %dma_wait3A_74 = arith.constant 0 : i32
    %dma_wait3A_75 = arith.constant 0 : i32
    %dma_wait3A_76 = arith.constant 0 : i32
    %dma_wait3A_77 = tpu.memref_slice %arg13[%dma_wait3A_74, %dma_wait3A_75, %dma_wait3A_76] : memref<2x128x128xi32, #tpu.memory_space<vmem>> -> memref<1x128x128xi32, #tpu.memory_space<vmem>>
    %dma_wait3A_78 = tpu.memref_squeeze %dma_wait3A_77 : memref<1x128x128xi32, #tpu.memory_space<vmem>> -> memref<128x128xi32, #tpu.memory_space<vmem>>
    %dma_wait3A_79 = arith.constant 0 : i32
    %dma_wait3A_80 = tpu.memref_slice %arg10[%dma_wait3A, %dma_wait3A_79] : memref<4x128xi32, #tpu.memory_space<vmem>> -> memref<1x128xi32, #tpu.memory_space<vmem>>
    %dma_wait3A_81 = tpu.memref_squeeze %dma_wait3A_80 : memref<1x128xi32, #tpu.memory_space<vmem>> -> memref<128xi32, #tpu.memory_space<vmem>>
    %dma_wait3A_82 = arith.constant 0 : i32
    %dma_wait3A_83 = arith.constant 0 : i32
    %dma_wait3A_84 = tpu.memref_slice %arg5[%dma_wait3A_82, %dma_wait3A_83] : memref<50848x128xi32, #tpu.memory_space<hbm>> -> memref<50848x128xi32, #tpu.memory_space<hbm>>
    tpu.wait_indirect_dma semaphore(%arg16 : memref<!tpu.dma_semaphore, #tpu.memory_space<semaphore_mem>>) src(%dma_wait3A_84 : memref<50848x128xi32, #tpu.memory_space<hbm>>) dst(%dma_wait3A_78 : memref<128x128xi32, #tpu.memory_space<vmem>>)
    %dma_wait3A_85 = arith.constant 1 : i32
    %dma_wait3A_86 = arith.constant 1 : i32
    %dma_wait3A_87 = arith.constant 0 : i32
    %dma_wait3A_88 = arith.constant 0 : i32
    %dma_wait3A_89 = tpu.memref_slice %arg13[%dma_wait3A_86, %dma_wait3A_87, %dma_wait3A_88] : memref<2x128x128xi32, #tpu.memory_space<vmem>> -> memref<1x128x128xi32, #tpu.memory_space<vmem>>
    %dma_wait3A_90 = tpu.memref_squeeze %dma_wait3A_89 : memref<1x128x128xi32, #tpu.memory_space<vmem>> -> memref<128x128xi32, #tpu.memory_space<vmem>>
    %dma_wait3A_91 = arith.constant 0 : i32
    %dma_wait3A_92 = tpu.memref_slice %arg10[%dma_wait3A_85, %dma_wait3A_91] : memref<4x128xi32, #tpu.memory_space<vmem>> -> memref<1x128xi32, #tpu.memory_space<vmem>>
    %dma_wait3A_93 = tpu.memref_squeeze %dma_wait3A_92 : memref<1x128xi32, #tpu.memory_space<vmem>> -> memref<128xi32, #tpu.memory_space<vmem>>
    %dma_wait3A_94 = arith.constant 0 : i32
    %dma_wait3A_95 = arith.constant 0 : i32
    %dma_wait3A_96 = tpu.memref_slice %arg5[%dma_wait3A_94, %dma_wait3A_95] : memref<50848x128xi32, #tpu.memory_space<hbm>> -> memref<50848x128xi32, #tpu.memory_space<hbm>>
    tpu.wait_indirect_dma semaphore(%arg16 : memref<!tpu.dma_semaphore, #tpu.memory_space<semaphore_mem>>) src(%dma_wait3A_96 : memref<50848x128xi32, #tpu.memory_space<hbm>>) dst(%dma_wait3A_90 : memref<128x128xi32, #tpu.memory_space<vmem>>)
    %dma_wait3A_97 = arith.constant 0 : i32
    %dma_wait3A_98 = arith.constant 0 : i32
    %dma_wait3A_99 = arith.constant 0 : i32
    %dma_wait3A_100 = arith.constant 0 : i32
    %dma_wait3A_101 = tpu.memref_slice %arg14[%dma_wait3A_98, %dma_wait3A_99, %dma_wait3A_100] : memref<2x128x128xi32, #tpu.memory_space<vmem>> -> memref<1x128x128xi32, #tpu.memory_space<vmem>>
    %dma_wait3A_102 = tpu.memref_squeeze %dma_wait3A_101 : memref<1x128x128xi32, #tpu.memory_space<vmem>> -> memref<128x128xi32, #tpu.memory_space<vmem>>
    %dma_wait3A_103 = arith.constant 0 : i32
    %dma_wait3A_104 = tpu.memref_slice %arg11[%dma_wait3A_97, %dma_wait3A_103] : memref<4x128xi32, #tpu.memory_space<vmem>> -> memref<1x128xi32, #tpu.memory_space<vmem>>
    %dma_wait3A_105 = tpu.memref_squeeze %dma_wait3A_104 : memref<1x128xi32, #tpu.memory_space<vmem>> -> memref<128xi32, #tpu.memory_space<vmem>>
    %dma_wait3A_106 = arith.constant 0 : i32
    %dma_wait3A_107 = arith.constant 0 : i32
    %dma_wait3A_108 = tpu.memref_slice %arg6[%dma_wait3A_106, %dma_wait3A_107] : memref<500288x128xi32, #tpu.memory_space<hbm>> -> memref<500288x128xi32, #tpu.memory_space<hbm>>
    tpu.wait_indirect_dma semaphore(%arg16 : memref<!tpu.dma_semaphore, #tpu.memory_space<semaphore_mem>>) src(%dma_wait3A_108 : memref<500288x128xi32, #tpu.memory_space<hbm>>) dst(%dma_wait3A_102 : memref<128x128xi32, #tpu.memory_space<vmem>>)
    %dma_wait3A_109 = arith.constant 1 : i32
    %dma_wait3A_110 = arith.constant 1 : i32
    %dma_wait3A_111 = arith.constant 0 : i32
    %dma_wait3A_112 = arith.constant 0 : i32
    %dma_wait3A_113 = tpu.memref_slice %arg14[%dma_wait3A_110, %dma_wait3A_111, %dma_wait3A_112] : memref<2x128x128xi32, #tpu.memory_space<vmem>> -> memref<1x128x128xi32, #tpu.memory_space<vmem>>
    %dma_wait3A_114 = tpu.memref_squeeze %dma_wait3A_113 : memref<1x128x128xi32, #tpu.memory_space<vmem>> -> memref<128x128xi32, #tpu.memory_space<vmem>>
    %dma_wait3A_115 = arith.constant 0 : i32
    %dma_wait3A_116 = tpu.memref_slice %arg11[%dma_wait3A_109, %dma_wait3A_115] : memref<4x128xi32, #tpu.memory_space<vmem>> -> memref<1x128xi32, #tpu.memory_space<vmem>>
    %dma_wait3A_117 = tpu.memref_squeeze %dma_wait3A_116 : memref<1x128xi32, #tpu.memory_space<vmem>> -> memref<128xi32, #tpu.memory_space<vmem>>
    %dma_wait3A_118 = arith.constant 0 : i32
    %dma_wait3A_119 = arith.constant 0 : i32
    %dma_wait3A_120 = tpu.memref_slice %arg6[%dma_wait3A_118, %dma_wait3A_119] : memref<500288x128xi32, #tpu.memory_space<hbm>> -> memref<500288x128xi32, #tpu.memory_space<hbm>>
    tpu.wait_indirect_dma semaphore(%arg16 : memref<!tpu.dma_semaphore, #tpu.memory_space<semaphore_mem>>) src(%dma_wait3A_120 : memref<500288x128xi32, #tpu.memory_space<hbm>>) dst(%dma_wait3A_114 : memref<128x128xi32, #tpu.memory_space<vmem>>)
    %dma_wait3A_121 = arith.constant 0 : i32
    %dma_wait3A_122 = arith.constant 0 : i32
    %dma_wait3A_123 = arith.constant 0 : i32
    %dma_wait3A_124 = arith.constant 0 : i32
    %dma_wait3A_125 = tpu.memref_slice %arg15[%dma_wait3A_122, %dma_wait3A_123, %dma_wait3A_124] : memref<2x128x128xi32, #tpu.memory_space<vmem>> -> memref<1x128x128xi32, #tpu.memory_space<vmem>>
    %dma_wait3A_126 = tpu.memref_squeeze %dma_wait3A_125 : memref<1x128x128xi32, #tpu.memory_space<vmem>> -> memref<128x128xi32, #tpu.memory_space<vmem>>
    %dma_wait3A_127 = arith.constant 0 : i32
    %dma_wait3A_128 = tpu.memref_slice %arg12[%dma_wait3A_121, %dma_wait3A_127] : memref<4x128xi32, #tpu.memory_space<vmem>> -> memref<1x128xi32, #tpu.memory_space<vmem>>
    %dma_wait3A_129 = tpu.memref_squeeze %dma_wait3A_128 : memref<1x128xi32, #tpu.memory_space<vmem>> -> memref<128xi32, #tpu.memory_space<vmem>>
    %dma_wait3A_130 = arith.constant 0 : i32
    %dma_wait3A_131 = arith.constant 0 : i32
    %dma_wait3A_132 = tpu.memref_slice %arg6[%dma_wait3A_130, %dma_wait3A_131] : memref<500288x128xi32, #tpu.memory_space<hbm>> -> memref<500288x128xi32, #tpu.memory_space<hbm>>
    tpu.wait_indirect_dma semaphore(%arg16 : memref<!tpu.dma_semaphore, #tpu.memory_space<semaphore_mem>>) src(%dma_wait3A_132 : memref<500288x128xi32, #tpu.memory_space<hbm>>) dst(%dma_wait3A_126 : memref<128x128xi32, #tpu.memory_space<vmem>>)
    %dma_wait3A_133 = arith.constant 1 : i32
    %dma_wait3A_134 = arith.constant 1 : i32
    %dma_wait3A_135 = arith.constant 0 : i32
    %dma_wait3A_136 = arith.constant 0 : i32
    %dma_wait3A_137 = tpu.memref_slice %arg15[%dma_wait3A_134, %dma_wait3A_135, %dma_wait3A_136] : memref<2x128x128xi32, #tpu.memory_space<vmem>> -> memref<1x128x128xi32, #tpu.memory_space<vmem>>
    %dma_wait3A_138 = tpu.memref_squeeze %dma_wait3A_137 : memref<1x128x128xi32, #tpu.memory_space<vmem>> -> memref<128x128xi32, #tpu.memory_space<vmem>>
    %dma_wait3A_139 = arith.constant 0 : i32
    %dma_wait3A_140 = tpu.memref_slice %arg12[%dma_wait3A_133, %dma_wait3A_139] : memref<4x128xi32, #tpu.memory_space<vmem>> -> memref<1x128xi32, #tpu.memory_space<vmem>>
    %dma_wait3A_141 = tpu.memref_squeeze %dma_wait3A_140 : memref<1x128xi32, #tpu.memory_space<vmem>> -> memref<128xi32, #tpu.memory_space<vmem>>
    %dma_wait3A_142 = arith.constant 0 : i32
    %dma_wait3A_143 = arith.constant 0 : i32
    %dma_wait3A_144 = tpu.memref_slice %arg6[%dma_wait3A_142, %dma_wait3A_143] : memref<500288x128xi32, #tpu.memory_space<hbm>> -> memref<500288x128xi32, #tpu.memory_space<hbm>>
    tpu.wait_indirect_dma semaphore(%arg16 : memref<!tpu.dma_semaphore, #tpu.memory_space<semaphore_mem>>) src(%dma_wait3A_144 : memref<500288x128xi32, #tpu.memory_space<hbm>>) dst(%dma_wait3A_138 : memref<128x128xi32, #tpu.memory_space<vmem>>)
    %add3A_145 = arith.constant 0 : i32
    %add3A_146 = arith.addi %mul3A_2, %add3A_145 : i32
    %dma_start3A_147 = arith.constant 0 : i32
    %dma_start3A_148 = arith.constant 0 : i32
    %dma_start3A_149 = arith.constant 0 : i32
    %dma_start3A_150 = tpu.memref_slice %arg13[%dma_start3A_147, %dma_start3A_148, %dma_start3A_149] : memref<2x128x128xi32, #tpu.memory_space<vmem>> -> memref<1x128x128xi32, #tpu.memory_space<vmem>>
    %dma_start3A_151 = tpu.memref_squeeze %dma_start3A_150 : memref<1x128x128xi32, #tpu.memory_space<vmem>> -> memref<128x128xi32, #tpu.memory_space<vmem>>
    %dma_start3A_152 = arith.constant 0 : i32
    %dma_start3A_153 = arith.constant 0 : i32
    %dma_start3A_154 = tpu.memref_slice %arg7[%add3A_146, %dma_start3A_152, %dma_start3A_153] : memref<128x128x128xi32, #tpu.memory_space<hbm>> -> memref<1x128x128xi32, #tpu.memory_space<hbm>>
    %dma_start3A_155 = tpu.memref_squeeze %dma_start3A_154 : memref<1x128x128xi32, #tpu.memory_space<hbm>> -> memref<128x128xi32, #tpu.memory_space<hbm>>
    %dma_start3A_156 = arith.constant 0 : i32
    %dma_start3A_157 = arith.constant 0 : i32
    %dma_start3A_158 = tpu.memref_slice %arg7[%add3A_146, %dma_start3A_156, %dma_start3A_157] : memref<128x128x128xi32, #tpu.memory_space<hbm>> -> memref<1x128x128xi32, #tpu.memory_space<hbm>>
    %dma_start3A_159 = tpu.memref_squeeze %dma_start3A_158 : memref<1x128x128xi32, #tpu.memory_space<hbm>> -> memref<128x128xi32, #tpu.memory_space<hbm>>
    %dma_start3A_160 = arith.constant 0 : i32
    %dma_start3A_161 = arith.constant 0 : i32
    %dma_start3A_162 = tpu.memref_slice %arg13[%dma_start3A_147, %dma_start3A_160, %dma_start3A_161] : memref<2x128x128xi32, #tpu.memory_space<vmem>> -> memref<1x128x128xi32, #tpu.memory_space<vmem>>
    %dma_start3A_163 = tpu.memref_squeeze %dma_start3A_162 : memref<1x128x128xi32, #tpu.memory_space<vmem>> -> memref<128x128xi32, #tpu.memory_space<vmem>>
    tpu.enqueue_dma source(%dma_start3A_163 : memref<128x128xi32, #tpu.memory_space<vmem>>) target(%dma_start3A_159 : memref<128x128xi32, #tpu.memory_space<hbm>>) target_semaphore(%arg17 : memref<!tpu.dma_semaphore, #tpu.memory_space<semaphore_mem>>)
    %add3A_164 = arith.constant 1 : i32
    %add3A_165 = arith.addi %mul3A_2, %add3A_164 : i32
    %dma_start3A_166 = arith.constant 1 : i32
    %dma_start3A_167 = arith.constant 0 : i32
    %dma_start3A_168 = arith.constant 0 : i32
    %dma_start3A_169 = tpu.memref_slice %arg13[%dma_start3A_166, %dma_start3A_167, %dma_start3A_168] : memref<2x128x128xi32, #tpu.memory_space<vmem>> -> memref<1x128x128xi32, #tpu.memory_space<vmem>>
    %dma_start3A_170 = tpu.memref_squeeze %dma_start3A_169 : memref<1x128x128xi32, #tpu.memory_space<vmem>> -> memref<128x128xi32, #tpu.memory_space<vmem>>
    %dma_start3A_171 = arith.constant 0 : i32
    %dma_start3A_172 = arith.constant 0 : i32
    %dma_start3A_173 = tpu.memref_slice %arg7[%add3A_165, %dma_start3A_171, %dma_start3A_172] : memref<128x128x128xi32, #tpu.memory_space<hbm>> -> memref<1x128x128xi32, #tpu.memory_space<hbm>>
    %dma_start3A_174 = tpu.memref_squeeze %dma_start3A_173 : memref<1x128x128xi32, #tpu.memory_space<hbm>> -> memref<128x128xi32, #tpu.memory_space<hbm>>
    %dma_start3A_175 = arith.constant 0 : i32
    %dma_start3A_176 = arith.constant 0 : i32
    %dma_start3A_177 = tpu.memref_slice %arg7[%add3A_165, %dma_start3A_175, %dma_start3A_176] : memref<128x128x128xi32, #tpu.memory_space<hbm>> -> memref<1x128x128xi32, #tpu.memory_space<hbm>>
    %dma_start3A_178 = tpu.memref_squeeze %dma_start3A_177 : memref<1x128x128xi32, #tpu.memory_space<hbm>> -> memref<128x128xi32, #tpu.memory_space<hbm>>
    %dma_start3A_179 = arith.constant 0 : i32
    %dma_start3A_180 = arith.constant 0 : i32
    %dma_start3A_181 = tpu.memref_slice %arg13[%dma_start3A_166, %dma_start3A_179, %dma_start3A_180] : memref<2x128x128xi32, #tpu.memory_space<vmem>> -> memref<1x128x128xi32, #tpu.memory_space<vmem>>
    %dma_start3A_182 = tpu.memref_squeeze %dma_start3A_181 : memref<1x128x128xi32, #tpu.memory_space<vmem>> -> memref<128x128xi32, #tpu.memory_space<vmem>>
    tpu.enqueue_dma source(%dma_start3A_182 : memref<128x128xi32, #tpu.memory_space<vmem>>) target(%dma_start3A_178 : memref<128x128xi32, #tpu.memory_space<hbm>>) target_semaphore(%arg17 : memref<!tpu.dma_semaphore, #tpu.memory_space<semaphore_mem>>)
    %add3A_183 = arith.constant 0 : i32
    %add3A_184 = arith.addi %mul3A_2, %add3A_183 : i32
    %dma_start3A_185 = arith.constant 0 : i32
    %dma_start3A_186 = arith.constant 0 : i32
    %dma_start3A_187 = arith.constant 0 : i32
    %dma_start3A_188 = tpu.memref_slice %arg14[%dma_start3A_185, %dma_start3A_186, %dma_start3A_187] : memref<2x128x128xi32, #tpu.memory_space<vmem>> -> memref<1x128x128xi32, #tpu.memory_space<vmem>>
    %dma_start3A_189 = tpu.memref_squeeze %dma_start3A_188 : memref<1x128x128xi32, #tpu.memory_space<vmem>> -> memref<128x128xi32, #tpu.memory_space<vmem>>
    %dma_start3A_190 = arith.constant 0 : i32
    %dma_start3A_191 = arith.constant 0 : i32
    %dma_start3A_192 = tpu.memref_slice %arg8[%add3A_184, %dma_start3A_190, %dma_start3A_191] : memref<128x128x128xi32, #tpu.memory_space<hbm>> -> memref<1x128x128xi32, #tpu.memory_space<hbm>>
    %dma_start3A_193 = tpu.memref_squeeze %dma_start3A_192 : memref<1x128x128xi32, #tpu.memory_space<hbm>> -> memref<128x128xi32, #tpu.memory_space<hbm>>
    %dma_start3A_194 = arith.constant 0 : i32
    %dma_start3A_195 = arith.constant 0 : i32
    %dma_start3A_196 = tpu.memref_slice %arg8[%add3A_184, %dma_start3A_194, %dma_start3A_195] : memref<128x128x128xi32, #tpu.memory_space<hbm>> -> memref<1x128x128xi32, #tpu.memory_space<hbm>>
    %dma_start3A_197 = tpu.memref_squeeze %dma_start3A_196 : memref<1x128x128xi32, #tpu.memory_space<hbm>> -> memref<128x128xi32, #tpu.memory_space<hbm>>
    %dma_start3A_198 = arith.constant 0 : i32
    %dma_start3A_199 = arith.constant 0 : i32
    %dma_start3A_200 = tpu.memref_slice %arg14[%dma_start3A_185, %dma_start3A_198, %dma_start3A_199] : memref<2x128x128xi32, #tpu.memory_space<vmem>> -> memref<1x128x128xi32, #tpu.memory_space<vmem>>
    %dma_start3A_201 = tpu.memref_squeeze %dma_start3A_200 : memref<1x128x128xi32, #tpu.memory_space<vmem>> -> memref<128x128xi32, #tpu.memory_space<vmem>>
    tpu.enqueue_dma source(%dma_start3A_201 : memref<128x128xi32, #tpu.memory_space<vmem>>) target(%dma_start3A_197 : memref<128x128xi32, #tpu.memory_space<hbm>>) target_semaphore(%arg17 : memref<!tpu.dma_semaphore, #tpu.memory_space<semaphore_mem>>)
    %add3A_202 = arith.constant 1 : i32
    %add3A_203 = arith.addi %mul3A_2, %add3A_202 : i32
    %dma_start3A_204 = arith.constant 1 : i32
    %dma_start3A_205 = arith.constant 0 : i32
    %dma_start3A_206 = arith.constant 0 : i32
    %dma_start3A_207 = tpu.memref_slice %arg14[%dma_start3A_204, %dma_start3A_205, %dma_start3A_206] : memref<2x128x128xi32, #tpu.memory_space<vmem>> -> memref<1x128x128xi32, #tpu.memory_space<vmem>>
    %dma_start3A_208 = tpu.memref_squeeze %dma_start3A_207 : memref<1x128x128xi32, #tpu.memory_space<vmem>> -> memref<128x128xi32, #tpu.memory_space<vmem>>
    %dma_start3A_209 = arith.constant 0 : i32
    %dma_start3A_210 = arith.constant 0 : i32
    %dma_start3A_211 = tpu.memref_slice %arg8[%add3A_203, %dma_start3A_209, %dma_start3A_210] : memref<128x128x128xi32, #tpu.memory_space<hbm>> -> memref<1x128x128xi32, #tpu.memory_space<hbm>>
    %dma_start3A_212 = tpu.memref_squeeze %dma_start3A_211 : memref<1x128x128xi32, #tpu.memory_space<hbm>> -> memref<128x128xi32, #tpu.memory_space<hbm>>
    %dma_start3A_213 = arith.constant 0 : i32
    %dma_start3A_214 = arith.constant 0 : i32
    %dma_start3A_215 = tpu.memref_slice %arg8[%add3A_203, %dma_start3A_213, %dma_start3A_214] : memref<128x128x128xi32, #tpu.memory_space<hbm>> -> memref<1x128x128xi32, #tpu.memory_space<hbm>>
    %dma_start3A_216 = tpu.memref_squeeze %dma_start3A_215 : memref<1x128x128xi32, #tpu.memory_space<hbm>> -> memref<128x128xi32, #tpu.memory_space<hbm>>
    %dma_start3A_217 = arith.constant 0 : i32
    %dma_start3A_218 = arith.constant 0 : i32
    %dma_start3A_219 = tpu.memref_slice %arg14[%dma_start3A_204, %dma_start3A_217, %dma_start3A_218] : memref<2x128x128xi32, #tpu.memory_space<vmem>> -> memref<1x128x128xi32, #tpu.memory_space<vmem>>
    %dma_start3A_220 = tpu.memref_squeeze %dma_start3A_219 : memref<1x128x128xi32, #tpu.memory_space<vmem>> -> memref<128x128xi32, #tpu.memory_space<vmem>>
    tpu.enqueue_dma source(%dma_start3A_220 : memref<128x128xi32, #tpu.memory_space<vmem>>) target(%dma_start3A_216 : memref<128x128xi32, #tpu.memory_space<hbm>>) target_semaphore(%arg17 : memref<!tpu.dma_semaphore, #tpu.memory_space<semaphore_mem>>)
    %add3A_221 = arith.constant 0 : i32
    %add3A_222 = arith.addi %mul3A_2, %add3A_221 : i32
    %dma_start3A_223 = arith.constant 0 : i32
    %dma_start3A_224 = arith.constant 0 : i32
    %dma_start3A_225 = arith.constant 0 : i32
    %dma_start3A_226 = tpu.memref_slice %arg15[%dma_start3A_223, %dma_start3A_224, %dma_start3A_225] : memref<2x128x128xi32, #tpu.memory_space<vmem>> -> memref<1x128x128xi32, #tpu.memory_space<vmem>>
    %dma_start3A_227 = tpu.memref_squeeze %dma_start3A_226 : memref<1x128x128xi32, #tpu.memory_space<vmem>> -> memref<128x128xi32, #tpu.memory_space<vmem>>
    %dma_start3A_228 = arith.constant 0 : i32
    %dma_start3A_229 = arith.constant 0 : i32
    %dma_start3A_230 = tpu.memref_slice %arg9[%add3A_222, %dma_start3A_228, %dma_start3A_229] : memref<128x128x128xi32, #tpu.memory_space<hbm>> -> memref<1x128x128xi32, #tpu.memory_space<hbm>>
    %dma_start3A_231 = tpu.memref_squeeze %dma_start3A_230 : memref<1x128x128xi32, #tpu.memory_space<hbm>> -> memref<128x128xi32, #tpu.memory_space<hbm>>
    %dma_start3A_232 = arith.constant 0 : i32
    %dma_start3A_233 = arith.constant 0 : i32
    %dma_start3A_234 = tpu.memref_slice %arg9[%add3A_222, %dma_start3A_232, %dma_start3A_233] : memref<128x128x128xi32, #tpu.memory_space<hbm>> -> memref<1x128x128xi32, #tpu.memory_space<hbm>>
    %dma_start3A_235 = tpu.memref_squeeze %dma_start3A_234 : memref<1x128x128xi32, #tpu.memory_space<hbm>> -> memref<128x128xi32, #tpu.memory_space<hbm>>
    %dma_start3A_236 = arith.constant 0 : i32
    %dma_start3A_237 = arith.constant 0 : i32
    %dma_start3A_238 = tpu.memref_slice %arg15[%dma_start3A_223, %dma_start3A_236, %dma_start3A_237] : memref<2x128x128xi32, #tpu.memory_space<vmem>> -> memref<1x128x128xi32, #tpu.memory_space<vmem>>
    %dma_start3A_239 = tpu.memref_squeeze %dma_start3A_238 : memref<1x128x128xi32, #tpu.memory_space<vmem>> -> memref<128x128xi32, #tpu.memory_space<vmem>>
    tpu.enqueue_dma source(%dma_start3A_239 : memref<128x128xi32, #tpu.memory_space<vmem>>) target(%dma_start3A_235 : memref<128x128xi32, #tpu.memory_space<hbm>>) target_semaphore(%arg17 : memref<!tpu.dma_semaphore, #tpu.memory_space<semaphore_mem>>)
    %add3A_240 = arith.constant 1 : i32
    %add3A_241 = arith.addi %mul3A_2, %add3A_240 : i32
    %dma_start3A_242 = arith.constant 1 : i32
    %dma_start3A_243 = arith.constant 0 : i32
    %dma_start3A_244 = arith.constant 0 : i32
    %dma_start3A_245 = tpu.memref_slice %arg15[%dma_start3A_242, %dma_start3A_243, %dma_start3A_244] : memref<2x128x128xi32, #tpu.memory_space<vmem>> -> memref<1x128x128xi32, #tpu.memory_space<vmem>>
    %dma_start3A_246 = tpu.memref_squeeze %dma_start3A_245 : memref<1x128x128xi32, #tpu.memory_space<vmem>> -> memref<128x128xi32, #tpu.memory_space<vmem>>
    %dma_start3A_247 = arith.constant 0 : i32
    %dma_start3A_248 = arith.constant 0 : i32
    %dma_start3A_249 = tpu.memref_slice %arg9[%add3A_241, %dma_start3A_247, %dma_start3A_248] : memref<128x128x128xi32, #tpu.memory_space<hbm>> -> memref<1x128x128xi32, #tpu.memory_space<hbm>>
    %dma_start3A_250 = tpu.memref_squeeze %dma_start3A_249 : memref<1x128x128xi32, #tpu.memory_space<hbm>> -> memref<128x128xi32, #tpu.memory_space<hbm>>
    %dma_start3A_251 = arith.constant 0 : i32
    %dma_start3A_252 = arith.constant 0 : i32
    %dma_start3A_253 = tpu.memref_slice %arg9[%add3A_241, %dma_start3A_251, %dma_start3A_252] : memref<128x128x128xi32, #tpu.memory_space<hbm>> -> memref<1x128x128xi32, #tpu.memory_space<hbm>>
    %dma_start3A_254 = tpu.memref_squeeze %dma_start3A_253 : memref<1x128x128xi32, #tpu.memory_space<hbm>> -> memref<128x128xi32, #tpu.memory_space<hbm>>
    %dma_start3A_255 = arith.constant 0 : i32
    %dma_start3A_256 = arith.constant 0 : i32
    %dma_start3A_257 = tpu.memref_slice %arg15[%dma_start3A_242, %dma_start3A_255, %dma_start3A_256] : memref<2x128x128xi32, #tpu.memory_space<vmem>> -> memref<1x128x128xi32, #tpu.memory_space<vmem>>
    %dma_start3A_258 = tpu.memref_squeeze %dma_start3A_257 : memref<1x128x128xi32, #tpu.memory_space<vmem>> -> memref<128x128xi32, #tpu.memory_space<vmem>>
    tpu.enqueue_dma source(%dma_start3A_258 : memref<128x128xi32, #tpu.memory_space<vmem>>) target(%dma_start3A_254 : memref<128x128xi32, #tpu.memory_space<hbm>>) target_semaphore(%arg17 : memref<!tpu.dma_semaphore, #tpu.memory_space<semaphore_mem>>)
    %dma_wait3A_259 = arith.constant 0 : i32
    %dma_wait3A_260 = arith.constant 0 : i32
    %dma_wait3A_261 = arith.constant 0 : i32
    %dma_wait3A_262 = tpu.memref_slice %arg13[%dma_wait3A_259, %dma_wait3A_260, %dma_wait3A_261] : memref<2x128x128xi32, #tpu.memory_space<vmem>> -> memref<1x128x128xi32, #tpu.memory_space<vmem>>
    %dma_wait3A_263 = tpu.memref_squeeze %dma_wait3A_262 : memref<1x128x128xi32, #tpu.memory_space<vmem>> -> memref<128x128xi32, #tpu.memory_space<vmem>>
    %dma_wait3A_264 = arith.constant 0 : i32
    %dma_wait3A_265 = arith.constant 0 : i32
    %dma_wait3A_266 = tpu.memref_slice %arg7[%add3A_146, %dma_wait3A_264, %dma_wait3A_265] : memref<128x128x128xi32, #tpu.memory_space<hbm>> -> memref<1x128x128xi32, #tpu.memory_space<hbm>>
    %dma_wait3A_267 = tpu.memref_squeeze %dma_wait3A_266 : memref<1x128x128xi32, #tpu.memory_space<hbm>> -> memref<128x128xi32, #tpu.memory_space<hbm>>
    %dma_wait3A_268 = arith.constant 0 : i32
    %dma_wait3A_269 = arith.constant 0 : i32
    %dma_wait3A_270 = tpu.memref_slice %arg7[%add3A_146, %dma_wait3A_268, %dma_wait3A_269] : memref<128x128x128xi32, #tpu.memory_space<hbm>> -> memref<1x128x128xi32, #tpu.memory_space<hbm>>
    %dma_wait3A_271 = tpu.memref_squeeze %dma_wait3A_270 : memref<1x128x128xi32, #tpu.memory_space<hbm>> -> memref<128x128xi32, #tpu.memory_space<hbm>>
    %dma_wait3A_272 = arith.constant 0 : i32
    %dma_wait3A_273 = arith.constant 0 : i32
    %dma_wait3A_274 = tpu.memref_slice %arg13[%dma_wait3A_259, %dma_wait3A_272, %dma_wait3A_273] : memref<2x128x128xi32, #tpu.memory_space<vmem>> -> memref<1x128x128xi32, #tpu.memory_space<vmem>>
    %dma_wait3A_275 = tpu.memref_squeeze %dma_wait3A_274 : memref<1x128x128xi32, #tpu.memory_space<vmem>> -> memref<128x128xi32, #tpu.memory_space<vmem>>
    tpu.wait_dma2 semaphore(%arg17 : memref<!tpu.dma_semaphore, #tpu.memory_space<semaphore_mem>>) src(%dma_wait3A_275 : memref<128x128xi32, #tpu.memory_space<vmem>>) dst(%dma_wait3A_271 : memref<128x128xi32, #tpu.memory_space<hbm>>)
    %dma_wait3A_276 = arith.constant 1 : i32
    %dma_wait3A_277 = arith.constant 0 : i32
    %dma_wait3A_278 = arith.constant 0 : i32
    %dma_wait3A_279 = tpu.memref_slice %arg13[%dma_wait3A_276, %dma_wait3A_277, %dma_wait3A_278] : memref<2x128x128xi32, #tpu.memory_space<vmem>> -> memref<1x128x128xi32, #tpu.memory_space<vmem>>
    %dma_wait3A_280 = tpu.memref_squeeze %dma_wait3A_279 : memref<1x128x128xi32, #tpu.memory_space<vmem>> -> memref<128x128xi32, #tpu.memory_space<vmem>>
    %dma_wait3A_281 = arith.constant 0 : i32
    %dma_wait3A_282 = arith.constant 0 : i32
    %dma_wait3A_283 = tpu.memref_slice %arg7[%add3A_165, %dma_wait3A_281, %dma_wait3A_282] : memref<128x128x128xi32, #tpu.memory_space<hbm>> -> memref<1x128x128xi32, #tpu.memory_space<hbm>>
    %dma_wait3A_284 = tpu.memref_squeeze %dma_wait3A_283 : memref<1x128x128xi32, #tpu.memory_space<hbm>> -> memref<128x128xi32, #tpu.memory_space<hbm>>
    %dma_wait3A_285 = arith.constant 0 : i32
    %dma_wait3A_286 = arith.constant 0 : i32
    %dma_wait3A_287 = tpu.memref_slice %arg7[%add3A_165, %dma_wait3A_285, %dma_wait3A_286] : memref<128x128x128xi32, #tpu.memory_space<hbm>> -> memref<1x128x128xi32, #tpu.memory_space<hbm>>
    %dma_wait3A_288 = tpu.memref_squeeze %dma_wait3A_287 : memref<1x128x128xi32, #tpu.memory_space<hbm>> -> memref<128x128xi32, #tpu.memory_space<hbm>>
    %dma_wait3A_289 = arith.constant 0 : i32
    %dma_wait3A_290 = arith.constant 0 : i32
    %dma_wait3A_291 = tpu.memref_slice %arg13[%dma_wait3A_276, %dma_wait3A_289, %dma_wait3A_290] : memref<2x128x128xi32, #tpu.memory_space<vmem>> -> memref<1x128x128xi32, #tpu.memory_space<vmem>>
    %dma_wait3A_292 = tpu.memref_squeeze %dma_wait3A_291 : memref<1x128x128xi32, #tpu.memory_space<vmem>> -> memref<128x128xi32, #tpu.memory_space<vmem>>
    tpu.wait_dma2 semaphore(%arg17 : memref<!tpu.dma_semaphore, #tpu.memory_space<semaphore_mem>>) src(%dma_wait3A_292 : memref<128x128xi32, #tpu.memory_space<vmem>>) dst(%dma_wait3A_288 : memref<128x128xi32, #tpu.memory_space<hbm>>)
    %dma_wait3A_293 = arith.constant 0 : i32
    %dma_wait3A_294 = arith.constant 0 : i32
    %dma_wait3A_295 = arith.constant 0 : i32
    %dma_wait3A_296 = tpu.memref_slice %arg14[%dma_wait3A_293, %dma_wait3A_294, %dma_wait3A_295] : memref<2x128x128xi32, #tpu.memory_space<vmem>> -> memref<1x128x128xi32, #tpu.memory_space<vmem>>
    %dma_wait3A_297 = tpu.memref_squeeze %dma_wait3A_296 : memref<1x128x128xi32, #tpu.memory_space<vmem>> -> memref<128x128xi32, #tpu.memory_space<vmem>>
    %dma_wait3A_298 = arith.constant 0 : i32
    %dma_wait3A_299 = arith.constant 0 : i32
    %dma_wait3A_300 = tpu.memref_slice %arg8[%add3A_184, %dma_wait3A_298, %dma_wait3A_299] : memref<128x128x128xi32, #tpu.memory_space<hbm>> -> memref<1x128x128xi32, #tpu.memory_space<hbm>>
    %dma_wait3A_301 = tpu.memref_squeeze %dma_wait3A_300 : memref<1x128x128xi32, #tpu.memory_space<hbm>> -> memref<128x128xi32, #tpu.memory_space<hbm>>
    %dma_wait3A_302 = arith.constant 0 : i32
    %dma_wait3A_303 = arith.constant 0 : i32
    %dma_wait3A_304 = tpu.memref_slice %arg8[%add3A_184, %dma_wait3A_302, %dma_wait3A_303] : memref<128x128x128xi32, #tpu.memory_space<hbm>> -> memref<1x128x128xi32, #tpu.memory_space<hbm>>
    %dma_wait3A_305 = tpu.memref_squeeze %dma_wait3A_304 : memref<1x128x128xi32, #tpu.memory_space<hbm>> -> memref<128x128xi32, #tpu.memory_space<hbm>>
    %dma_wait3A_306 = arith.constant 0 : i32
    %dma_wait3A_307 = arith.constant 0 : i32
    %dma_wait3A_308 = tpu.memref_slice %arg14[%dma_wait3A_293, %dma_wait3A_306, %dma_wait3A_307] : memref<2x128x128xi32, #tpu.memory_space<vmem>> -> memref<1x128x128xi32, #tpu.memory_space<vmem>>
    %dma_wait3A_309 = tpu.memref_squeeze %dma_wait3A_308 : memref<1x128x128xi32, #tpu.memory_space<vmem>> -> memref<128x128xi32, #tpu.memory_space<vmem>>
    tpu.wait_dma2 semaphore(%arg17 : memref<!tpu.dma_semaphore, #tpu.memory_space<semaphore_mem>>) src(%dma_wait3A_309 : memref<128x128xi32, #tpu.memory_space<vmem>>) dst(%dma_wait3A_305 : memref<128x128xi32, #tpu.memory_space<hbm>>)
    %dma_wait3A_310 = arith.constant 1 : i32
    %dma_wait3A_311 = arith.constant 0 : i32
    %dma_wait3A_312 = arith.constant 0 : i32
    %dma_wait3A_313 = tpu.memref_slice %arg14[%dma_wait3A_310, %dma_wait3A_311, %dma_wait3A_312] : memref<2x128x128xi32, #tpu.memory_space<vmem>> -> memref<1x128x128xi32, #tpu.memory_space<vmem>>
    %dma_wait3A_314 = tpu.memref_squeeze %dma_wait3A_313 : memref<1x128x128xi32, #tpu.memory_space<vmem>> -> memref<128x128xi32, #tpu.memory_space<vmem>>
    %dma_wait3A_315 = arith.constant 0 : i32
    %dma_wait3A_316 = arith.constant 0 : i32
    %dma_wait3A_317 = tpu.memref_slice %arg8[%add3A_203, %dma_wait3A_315, %dma_wait3A_316] : memref<128x128x128xi32, #tpu.memory_space<hbm>> -> memref<1x128x128xi32, #tpu.memory_space<hbm>>
    %dma_wait3A_318 = tpu.memref_squeeze %dma_wait3A_317 : memref<1x128x128xi32, #tpu.memory_space<hbm>> -> memref<128x128xi32, #tpu.memory_space<hbm>>
    %dma_wait3A_319 = arith.constant 0 : i32
    %dma_wait3A_320 = arith.constant 0 : i32
    %dma_wait3A_321 = tpu.memref_slice %arg8[%add3A_203, %dma_wait3A_319, %dma_wait3A_320] : memref<128x128x128xi32, #tpu.memory_space<hbm>> -> memref<1x128x128xi32, #tpu.memory_space<hbm>>
    %dma_wait3A_322 = tpu.memref_squeeze %dma_wait3A_321 : memref<1x128x128xi32, #tpu.memory_space<hbm>> -> memref<128x128xi32, #tpu.memory_space<hbm>>
    %dma_wait3A_323 = arith.constant 0 : i32
    %dma_wait3A_324 = arith.constant 0 : i32
    %dma_wait3A_325 = tpu.memref_slice %arg14[%dma_wait3A_310, %dma_wait3A_323, %dma_wait3A_324] : memref<2x128x128xi32, #tpu.memory_space<vmem>> -> memref<1x128x128xi32, #tpu.memory_space<vmem>>
    %dma_wait3A_326 = tpu.memref_squeeze %dma_wait3A_325 : memref<1x128x128xi32, #tpu.memory_space<vmem>> -> memref<128x128xi32, #tpu.memory_space<vmem>>
    tpu.wait_dma2 semaphore(%arg17 : memref<!tpu.dma_semaphore, #tpu.memory_space<semaphore_mem>>) src(%dma_wait3A_326 : memref<128x128xi32, #tpu.memory_space<vmem>>) dst(%dma_wait3A_322 : memref<128x128xi32, #tpu.memory_space<hbm>>)
    %dma_wait3A_327 = arith.constant 0 : i32
    %dma_wait3A_328 = arith.constant 0 : i32
    %dma_wait3A_329 = arith.constant 0 : i32
    %dma_wait3A_330 = tpu.memref_slice %arg15[%dma_wait3A_327, %dma_wait3A_328, %dma_wait3A_329] : memref<2x128x128xi32, #tpu.memory_space<vmem>> -> memref<1x128x128xi32, #tpu.memory_space<vmem>>
    %dma_wait3A_331 = tpu.memref_squeeze %dma_wait3A_330 : memref<1x128x128xi32, #tpu.memory_space<vmem>> -> memref<128x128xi32, #tpu.memory_space<vmem>>
    %dma_wait3A_332 = arith.constant 0 : i32
    %dma_wait3A_333 = arith.constant 0 : i32
    %dma_wait3A_334 = tpu.memref_slice %arg9[%add3A_222, %dma_wait3A_332, %dma_wait3A_333] : memref<128x128x128xi32, #tpu.memory_space<hbm>> -> memref<1x128x128xi32, #tpu.memory_space<hbm>>
    %dma_wait3A_335 = tpu.memref_squeeze %dma_wait3A_334 : memref<1x128x128xi32, #tpu.memory_space<hbm>> -> memref<128x128xi32, #tpu.memory_space<hbm>>
    %dma_wait3A_336 = arith.constant 0 : i32
    %dma_wait3A_337 = arith.constant 0 : i32
    %dma_wait3A_338 = tpu.memref_slice %arg9[%add3A_222, %dma_wait3A_336, %dma_wait3A_337] : memref<128x128x128xi32, #tpu.memory_space<hbm>> -> memref<1x128x128xi32, #tpu.memory_space<hbm>>
    %dma_wait3A_339 = tpu.memref_squeeze %dma_wait3A_338 : memref<1x128x128xi32, #tpu.memory_space<hbm>> -> memref<128x128xi32, #tpu.memory_space<hbm>>
    %dma_wait3A_340 = arith.constant 0 : i32
    %dma_wait3A_341 = arith.constant 0 : i32
    %dma_wait3A_342 = tpu.memref_slice %arg15[%dma_wait3A_327, %dma_wait3A_340, %dma_wait3A_341] : memref<2x128x128xi32, #tpu.memory_space<vmem>> -> memref<1x128x128xi32, #tpu.memory_space<vmem>>
    %dma_wait3A_343 = tpu.memref_squeeze %dma_wait3A_342 : memref<1x128x128xi32, #tpu.memory_space<vmem>> -> memref<128x128xi32, #tpu.memory_space<vmem>>
    tpu.wait_dma2 semaphore(%arg17 : memref<!tpu.dma_semaphore, #tpu.memory_space<semaphore_mem>>) src(%dma_wait3A_343 : memref<128x128xi32, #tpu.memory_space<vmem>>) dst(%dma_wait3A_339 : memref<128x128xi32, #tpu.memory_space<hbm>>)
    %dma_wait3A_344 = arith.constant 1 : i32
    %dma_wait3A_345 = arith.constant 0 : i32
    %dma_wait3A_346 = arith.constant 0 : i32
    %dma_wait3A_347 = tpu.memref_slice %arg15[%dma_wait3A_344, %dma_wait3A_345, %dma_wait3A_346] : memref<2x128x128xi32, #tpu.memory_space<vmem>> -> memref<1x128x128xi32, #tpu.memory_space<vmem>>
    %dma_wait3A_348 = tpu.memref_squeeze %dma_wait3A_347 : memref<1x128x128xi32, #tpu.memory_space<vmem>> -> memref<128x128xi32, #tpu.memory_space<vmem>>
    %dma_wait3A_349 = arith.constant 0 : i32
    %dma_wait3A_350 = arith.constant 0 : i32
    %dma_wait3A_351 = tpu.memref_slice %arg9[%add3A_241, %dma_wait3A_349, %dma_wait3A_350] : memref<128x128x128xi32, #tpu.memory_space<hbm>> -> memref<1x128x128xi32, #tpu.memory_space<hbm>>
    %dma_wait3A_352 = tpu.memref_squeeze %dma_wait3A_351 : memref<1x128x128xi32, #tpu.memory_space<hbm>> -> memref<128x128xi32, #tpu.memory_space<hbm>>
    %dma_wait3A_353 = arith.constant 0 : i32
    %dma_wait3A_354 = arith.constant 0 : i32
    %dma_wait3A_355 = tpu.memref_slice %arg9[%add3A_241, %dma_wait3A_353, %dma_wait3A_354] : memref<128x128x128xi32, #tpu.memory_space<hbm>> -> memref<1x128x128xi32, #tpu.memory_space<hbm>>
    %dma_wait3A_356 = tpu.memref_squeeze %dma_wait3A_355 : memref<1x128x128xi32, #tpu.memory_space<hbm>> -> memref<128x128xi32, #tpu.memory_space<hbm>>
    %dma_wait3A_357 = arith.constant 0 : i32
    %dma_wait3A_358 = arith.constant 0 : i32
    %dma_wait3A_359 = tpu.memref_slice %arg15[%dma_wait3A_344, %dma_wait3A_357, %dma_wait3A_358] : memref<2x128x128xi32, #tpu.memory_space<vmem>> -> memref<1x128x128xi32, #tpu.memory_space<vmem>>
    %dma_wait3A_360 = tpu.memref_squeeze %dma_wait3A_359 : memref<1x128x128xi32, #tpu.memory_space<vmem>> -> memref<128x128xi32, #tpu.memory_space<vmem>>
    tpu.wait_dma2 semaphore(%arg17 : memref<!tpu.dma_semaphore, #tpu.memory_space<semaphore_mem>>) src(%dma_wait3A_360 : memref<128x128xi32, #tpu.memory_space<vmem>>) dst(%dma_wait3A_356 : memref<128x128xi32, #tpu.memory_space<hbm>>)
    %dma_start3A_361 = arith.constant 2 : i32
    %dma_start3A_362 = arith.constant 0 : i32
    %dma_start3A_363 = arith.constant 0 : i32
    %dma_start3A_364 = arith.constant 0 : i32
    %dma_start3A_365 = tpu.memref_slice %arg13[%dma_start3A_362, %dma_start3A_363, %dma_start3A_364] : memref<2x128x128xi32, #tpu.memory_space<vmem>> -> memref<1x128x128xi32, #tpu.memory_space<vmem>>
    %dma_start3A_366 = tpu.memref_squeeze %dma_start3A_365 : memref<1x128x128xi32, #tpu.memory_space<vmem>> -> memref<128x128xi32, #tpu.memory_space<vmem>>
    %dma_start3A_367 = arith.constant 0 : i32
    %dma_start3A_368 = tpu.memref_slice %arg10[%dma_start3A_361, %dma_start3A_367] : memref<4x128xi32, #tpu.memory_space<vmem>> -> memref<1x128xi32, #tpu.memory_space<vmem>>
    %dma_start3A_369 = tpu.memref_squeeze %dma_start3A_368 : memref<1x128xi32, #tpu.memory_space<vmem>> -> memref<128xi32, #tpu.memory_space<vmem>>
    %dma_start3A_370 = arith.constant 0 : i32
    %dma_start3A_371 = arith.constant 0 : i32
    %dma_start3A_372 = tpu.memref_slice %arg5[%dma_start3A_370, %dma_start3A_371] : memref<50848x128xi32, #tpu.memory_space<hbm>> -> memref<50848x128xi32, #tpu.memory_space<hbm>>
    tpu.enqueue_indirect_dma source(%dma_start3A_372 : memref<50848x128xi32, #tpu.memory_space<hbm>>) target(%dma_start3A_366 : memref<128x128xi32, #tpu.memory_space<vmem>>) offsets(%dma_start3A_369 : memref<128xi32, #tpu.memory_space<vmem>>) semaphore(%arg16 : memref<!tpu.dma_semaphore, #tpu.memory_space<semaphore_mem>>)
    %dma_start3A_373 = arith.constant 3 : i32
    %dma_start3A_374 = arith.constant 1 : i32
    %dma_start3A_375 = arith.constant 0 : i32
    %dma_start3A_376 = arith.constant 0 : i32
    %dma_start3A_377 = tpu.memref_slice %arg13[%dma_start3A_374, %dma_start3A_375, %dma_start3A_376] : memref<2x128x128xi32, #tpu.memory_space<vmem>> -> memref<1x128x128xi32, #tpu.memory_space<vmem>>
    %dma_start3A_378 = tpu.memref_squeeze %dma_start3A_377 : memref<1x128x128xi32, #tpu.memory_space<vmem>> -> memref<128x128xi32, #tpu.memory_space<vmem>>
    %dma_start3A_379 = arith.constant 0 : i32
    %dma_start3A_380 = tpu.memref_slice %arg10[%dma_start3A_373, %dma_start3A_379] : memref<4x128xi32, #tpu.memory_space<vmem>> -> memref<1x128xi32, #tpu.memory_space<vmem>>
    %dma_start3A_381 = tpu.memref_squeeze %dma_start3A_380 : memref<1x128xi32, #tpu.memory_space<vmem>> -> memref<128xi32, #tpu.memory_space<vmem>>
    %dma_start3A_382 = arith.constant 0 : i32
    %dma_start3A_383 = arith.constant 0 : i32
    %dma_start3A_384 = tpu.memref_slice %arg5[%dma_start3A_382, %dma_start3A_383] : memref<50848x128xi32, #tpu.memory_space<hbm>> -> memref<50848x128xi32, #tpu.memory_space<hbm>>
    tpu.enqueue_indirect_dma source(%dma_start3A_384 : memref<50848x128xi32, #tpu.memory_space<hbm>>) target(%dma_start3A_378 : memref<128x128xi32, #tpu.memory_space<vmem>>) offsets(%dma_start3A_381 : memref<128xi32, #tpu.memory_space<vmem>>) semaphore(%arg16 : memref<!tpu.dma_semaphore, #tpu.memory_space<semaphore_mem>>)
    %dma_start3A_385 = arith.constant 2 : i32
    %dma_start3A_386 = arith.constant 0 : i32
    %dma_start3A_387 = arith.constant 0 : i32
    %dma_start3A_388 = arith.constant 0 : i32
    %dma_start3A_389 = tpu.memref_slice %arg14[%dma_start3A_386, %dma_start3A_387, %dma_start3A_388] : memref<2x128x128xi32, #tpu.memory_space<vmem>> -> memref<1x128x128xi32, #tpu.memory_space<vmem>>
    %dma_start3A_390 = tpu.memref_squeeze %dma_start3A_389 : memref<1x128x128xi32, #tpu.memory_space<vmem>> -> memref<128x128xi32, #tpu.memory_space<vmem>>
    %dma_start3A_391 = arith.constant 0 : i32
    %dma_start3A_392 = tpu.memref_slice %arg11[%dma_start3A_385, %dma_start3A_391] : memref<4x128xi32, #tpu.memory_space<vmem>> -> memref<1x128xi32, #tpu.memory_space<vmem>>
    %dma_start3A_393 = tpu.memref_squeeze %dma_start3A_392 : memref<1x128xi32, #tpu.memory_space<vmem>> -> memref<128xi32, #tpu.memory_space<vmem>>
    %dma_start3A_394 = arith.constant 0 : i32
    %dma_start3A_395 = arith.constant 0 : i32
    %dma_start3A_396 = tpu.memref_slice %arg6[%dma_start3A_394, %dma_start3A_395] : memref<500288x128xi32, #tpu.memory_space<hbm>> -> memref<500288x128xi32, #tpu.memory_space<hbm>>
    tpu.enqueue_indirect_dma source(%dma_start3A_396 : memref<500288x128xi32, #tpu.memory_space<hbm>>) target(%dma_start3A_390 : memref<128x128xi32, #tpu.memory_space<vmem>>) offsets(%dma_start3A_393 : memref<128xi32, #tpu.memory_space<vmem>>) semaphore(%arg16 : memref<!tpu.dma_semaphore, #tpu.memory_space<semaphore_mem>>)
    %dma_start3A_397 = arith.constant 3 : i32
    %dma_start3A_398 = arith.constant 1 : i32
    %dma_start3A_399 = arith.constant 0 : i32
    %dma_start3A_400 = arith.constant 0 : i32
    %dma_start3A_401 = tpu.memref_slice %arg14[%dma_start3A_398, %dma_start3A_399, %dma_start3A_400] : memref<2x128x128xi32, #tpu.memory_space<vmem>> -> memref<1x128x128xi32, #tpu.memory_space<vmem>>
    %dma_start3A_402 = tpu.memref_squeeze %dma_start3A_401 : memref<1x128x128xi32, #tpu.memory_space<vmem>> -> memref<128x128xi32, #tpu.memory_space<vmem>>
    %dma_start3A_403 = arith.constant 0 : i32
    %dma_start3A_404 = tpu.memref_slice %arg11[%dma_start3A_397, %dma_start3A_403] : memref<4x128xi32, #tpu.memory_space<vmem>> -> memref<1x128xi32, #tpu.memory_space<vmem>>
    %dma_start3A_405 = tpu.memref_squeeze %dma_start3A_404 : memref<1x128xi32, #tpu.memory_space<vmem>> -> memref<128xi32, #tpu.memory_space<vmem>>
    %dma_start3A_406 = arith.constant 0 : i32
    %dma_start3A_407 = arith.constant 0 : i32
    %dma_start3A_408 = tpu.memref_slice %arg6[%dma_start3A_406, %dma_start3A_407] : memref<500288x128xi32, #tpu.memory_space<hbm>> -> memref<500288x128xi32, #tpu.memory_space<hbm>>
    tpu.enqueue_indirect_dma source(%dma_start3A_408 : memref<500288x128xi32, #tpu.memory_space<hbm>>) target(%dma_start3A_402 : memref<128x128xi32, #tpu.memory_space<vmem>>) offsets(%dma_start3A_405 : memref<128xi32, #tpu.memory_space<vmem>>) semaphore(%arg16 : memref<!tpu.dma_semaphore, #tpu.memory_space<semaphore_mem>>)
    %dma_start3A_409 = arith.constant 2 : i32
    %dma_start3A_410 = arith.constant 0 : i32
    %dma_start3A_411 = arith.constant 0 : i32
    %dma_start3A_412 = arith.constant 0 : i32
    %dma_start3A_413 = tpu.memref_slice %arg15[%dma_start3A_410, %dma_start3A_411, %dma_start3A_412] : memref<2x128x128xi32, #tpu.memory_space<vmem>> -> memref<1x128x128xi32, #tpu.memory_space<vmem>>
    %dma_start3A_414 = tpu.memref_squeeze %dma_start3A_413 : memref<1x128x128xi32, #tpu.memory_space<vmem>> -> memref<128x128xi32, #tpu.memory_space<vmem>>
    %dma_start3A_415 = arith.constant 0 : i32
    %dma_start3A_416 = tpu.memref_slice %arg12[%dma_start3A_409, %dma_start3A_415] : memref<4x128xi32, #tpu.memory_space<vmem>> -> memref<1x128xi32, #tpu.memory_space<vmem>>
    %dma_start3A_417 = tpu.memref_squeeze %dma_start3A_416 : memref<1x128xi32, #tpu.memory_space<vmem>> -> memref<128xi32, #tpu.memory_space<vmem>>
    %dma_start3A_418 = arith.constant 0 : i32
    %dma_start3A_419 = arith.constant 0 : i32
    %dma_start3A_420 = tpu.memref_slice %arg6[%dma_start3A_418, %dma_start3A_419] : memref<500288x128xi32, #tpu.memory_space<hbm>> -> memref<500288x128xi32, #tpu.memory_space<hbm>>
    tpu.enqueue_indirect_dma source(%dma_start3A_420 : memref<500288x128xi32, #tpu.memory_space<hbm>>) target(%dma_start3A_414 : memref<128x128xi32, #tpu.memory_space<vmem>>) offsets(%dma_start3A_417 : memref<128xi32, #tpu.memory_space<vmem>>) semaphore(%arg16 : memref<!tpu.dma_semaphore, #tpu.memory_space<semaphore_mem>>)
    %dma_start3A_421 = arith.constant 3 : i32
    %dma_start3A_422 = arith.constant 1 : i32
    %dma_start3A_423 = arith.constant 0 : i32
    %dma_start3A_424 = arith.constant 0 : i32
    %dma_start3A_425 = tpu.memref_slice %arg15[%dma_start3A_422, %dma_start3A_423, %dma_start3A_424] : memref<2x128x128xi32, #tpu.memory_space<vmem>> -> memref<1x128x128xi32, #tpu.memory_space<vmem>>
    %dma_start3A_426 = tpu.memref_squeeze %dma_start3A_425 : memref<1x128x128xi32, #tpu.memory_space<vmem>> -> memref<128x128xi32, #tpu.memory_space<vmem>>
    %dma_start3A_427 = arith.constant 0 : i32
    %dma_start3A_428 = tpu.memref_slice %arg12[%dma_start3A_421, %dma_start3A_427] : memref<4x128xi32, #tpu.memory_space<vmem>> -> memref<1x128xi32, #tpu.memory_space<vmem>>
    %dma_start3A_429 = tpu.memref_squeeze %dma_start3A_428 : memref<1x128xi32, #tpu.memory_space<vmem>> -> memref<128xi32, #tpu.memory_space<vmem>>
    %dma_start3A_430 = arith.constant 0 : i32
    %dma_start3A_431 = arith.constant 0 : i32
    %dma_start3A_432 = tpu.memref_slice %arg6[%dma_start3A_430, %dma_start3A_431] : memref<500288x128xi32, #tpu.memory_space<hbm>> -> memref<500288x128xi32, #tpu.memory_space<hbm>>
    tpu.enqueue_indirect_dma source(%dma_start3A_432 : memref<500288x128xi32, #tpu.memory_space<hbm>>) target(%dma_start3A_426 : memref<128x128xi32, #tpu.memory_space<vmem>>) offsets(%dma_start3A_429 : memref<128xi32, #tpu.memory_space<vmem>>) semaphore(%arg16 : memref<!tpu.dma_semaphore, #tpu.memory_space<semaphore_mem>>)
    %dma_wait3A_433 = arith.constant 2 : i32
    %dma_wait3A_434 = arith.constant 0 : i32
    %dma_wait3A_435 = arith.constant 0 : i32
    %dma_wait3A_436 = arith.constant 0 : i32
    %dma_wait3A_437 = tpu.memref_slice %arg13[%dma_wait3A_434, %dma_wait3A_435, %dma_wait3A_436] : memref<2x128x128xi32, #tpu.memory_space<vmem>> -> memref<1x128x128xi32, #tpu.memory_space<vmem>>
    %dma_wait3A_438 = tpu.memref_squeeze %dma_wait3A_437 : memref<1x128x128xi32, #tpu.memory_space<vmem>> -> memref<128x128xi32, #tpu.memory_space<vmem>>
    %dma_wait3A_439 = arith.constant 0 : i32
    %dma_wait3A_440 = tpu.memref_slice %arg10[%dma_wait3A_433, %dma_wait3A_439] : memref<4x128xi32, #tpu.memory_space<vmem>> -> memref<1x128xi32, #tpu.memory_space<vmem>>
    %dma_wait3A_441 = tpu.memref_squeeze %dma_wait3A_440 : memref<1x128xi32, #tpu.memory_space<vmem>> -> memref<128xi32, #tpu.memory_space<vmem>>
    %dma_wait3A_442 = arith.constant 0 : i32
    %dma_wait3A_443 = arith.constant 0 : i32
    %dma_wait3A_444 = tpu.memref_slice %arg5[%dma_wait3A_442, %dma_wait3A_443] : memref<50848x128xi32, #tpu.memory_space<hbm>> -> memref<50848x128xi32, #tpu.memory_space<hbm>>
    tpu.wait_indirect_dma semaphore(%arg16 : memref<!tpu.dma_semaphore, #tpu.memory_space<semaphore_mem>>) src(%dma_wait3A_444 : memref<50848x128xi32, #tpu.memory_space<hbm>>) dst(%dma_wait3A_438 : memref<128x128xi32, #tpu.memory_space<vmem>>)
    %dma_wait3A_445 = arith.constant 3 : i32
    %dma_wait3A_446 = arith.constant 1 : i32
    %dma_wait3A_447 = arith.constant 0 : i32
    %dma_wait3A_448 = arith.constant 0 : i32
    %dma_wait3A_449 = tpu.memref_slice %arg13[%dma_wait3A_446, %dma_wait3A_447, %dma_wait3A_448] : memref<2x128x128xi32, #tpu.memory_space<vmem>> -> memref<1x128x128xi32, #tpu.memory_space<vmem>>
    %dma_wait3A_450 = tpu.memref_squeeze %dma_wait3A_449 : memref<1x128x128xi32, #tpu.memory_space<vmem>> -> memref<128x128xi32, #tpu.memory_space<vmem>>
    %dma_wait3A_451 = arith.constant 0 : i32
    %dma_wait3A_452 = tpu.memref_slice %arg10[%dma_wait3A_445, %dma_wait3A_451] : memref<4x128xi32, #tpu.memory_space<vmem>> -> memref<1x128xi32, #tpu.memory_space<vmem>>
    %dma_wait3A_453 = tpu.memref_squeeze %dma_wait3A_452 : memref<1x128xi32, #tpu.memory_space<vmem>> -> memref<128xi32, #tpu.memory_space<vmem>>
    %dma_wait3A_454 = arith.constant 0 : i32
    %dma_wait3A_455 = arith.constant 0 : i32
    %dma_wait3A_456 = tpu.memref_slice %arg5[%dma_wait3A_454, %dma_wait3A_455] : memref<50848x128xi32, #tpu.memory_space<hbm>> -> memref<50848x128xi32, #tpu.memory_space<hbm>>
    tpu.wait_indirect_dma semaphore(%arg16 : memref<!tpu.dma_semaphore, #tpu.memory_space<semaphore_mem>>) src(%dma_wait3A_456 : memref<50848x128xi32, #tpu.memory_space<hbm>>) dst(%dma_wait3A_450 : memref<128x128xi32, #tpu.memory_space<vmem>>)
    %dma_wait3A_457 = arith.constant 2 : i32
    %dma_wait3A_458 = arith.constant 0 : i32
    %dma_wait3A_459 = arith.constant 0 : i32
    %dma_wait3A_460 = arith.constant 0 : i32
    %dma_wait3A_461 = tpu.memref_slice %arg14[%dma_wait3A_458, %dma_wait3A_459, %dma_wait3A_460] : memref<2x128x128xi32, #tpu.memory_space<vmem>> -> memref<1x128x128xi32, #tpu.memory_space<vmem>>
    %dma_wait3A_462 = tpu.memref_squeeze %dma_wait3A_461 : memref<1x128x128xi32, #tpu.memory_space<vmem>> -> memref<128x128xi32, #tpu.memory_space<vmem>>
    %dma_wait3A_463 = arith.constant 0 : i32
    %dma_wait3A_464 = tpu.memref_slice %arg11[%dma_wait3A_457, %dma_wait3A_463] : memref<4x128xi32, #tpu.memory_space<vmem>> -> memref<1x128xi32, #tpu.memory_space<vmem>>
    %dma_wait3A_465 = tpu.memref_squeeze %dma_wait3A_464 : memref<1x128xi32, #tpu.memory_space<vmem>> -> memref<128xi32, #tpu.memory_space<vmem>>
    %dma_wait3A_466 = arith.constant 0 : i32
    %dma_wait3A_467 = arith.constant 0 : i32
    %dma_wait3A_468 = tpu.memref_slice %arg6[%dma_wait3A_466, %dma_wait3A_467] : memref<500288x128xi32, #tpu.memory_space<hbm>> -> memref<500288x128xi32, #tpu.memory_space<hbm>>
    tpu.wait_indirect_dma semaphore(%arg16 : memref<!tpu.dma_semaphore, #tpu.memory_space<semaphore_mem>>) src(%dma_wait3A_468 : memref<500288x128xi32, #tpu.memory_space<hbm>>) dst(%dma_wait3A_462 : memref<128x128xi32, #tpu.memory_space<vmem>>)
    %dma_wait3A_469 = arith.constant 3 : i32
    %dma_wait3A_470 = arith.constant 1 : i32
    %dma_wait3A_471 = arith.constant 0 : i32
    %dma_wait3A_472 = arith.constant 0 : i32
    %dma_wait3A_473 = tpu.memref_slice %arg14[%dma_wait3A_470, %dma_wait3A_471, %dma_wait3A_472] : memref<2x128x128xi32, #tpu.memory_space<vmem>> -> memref<1x128x128xi32, #tpu.memory_space<vmem>>
    %dma_wait3A_474 = tpu.memref_squeeze %dma_wait3A_473 : memref<1x128x128xi32, #tpu.memory_space<vmem>> -> memref<128x128xi32, #tpu.memory_space<vmem>>
    %dma_wait3A_475 = arith.constant 0 : i32
    %dma_wait3A_476 = tpu.memref_slice %arg11[%dma_wait3A_469, %dma_wait3A_475] : memref<4x128xi32, #tpu.memory_space<vmem>> -> memref<1x128xi32, #tpu.memory_space<vmem>>
    %dma_wait3A_477 = tpu.memref_squeeze %dma_wait3A_476 : memref<1x128xi32, #tpu.memory_space<vmem>> -> memref<128xi32, #tpu.memory_space<vmem>>
    %dma_wait3A_478 = arith.constant 0 : i32
    %dma_wait3A_479 = arith.constant 0 : i32
    %dma_wait3A_480 = tpu.memref_slice %arg6[%dma_wait3A_478, %dma_wait3A_479] : memref<500288x128xi32, #tpu.memory_space<hbm>> -> memref<500288x128xi32, #tpu.memory_space<hbm>>
    tpu.wait_indirect_dma semaphore(%arg16 : memref<!tpu.dma_semaphore, #tpu.memory_space<semaphore_mem>>) src(%dma_wait3A_480 : memref<500288x128xi32, #tpu.memory_space<hbm>>) dst(%dma_wait3A_474 : memref<128x128xi32, #tpu.memory_space<vmem>>)
    %dma_wait3A_481 = arith.constant 2 : i32
    %dma_wait3A_482 = arith.constant 0 : i32
    %dma_wait3A_483 = arith.constant 0 : i32
    %dma_wait3A_484 = arith.constant 0 : i32
    %dma_wait3A_485 = tpu.memref_slice %arg15[%dma_wait3A_482, %dma_wait3A_483, %dma_wait3A_484] : memref<2x128x128xi32, #tpu.memory_space<vmem>> -> memref<1x128x128xi32, #tpu.memory_space<vmem>>
    %dma_wait3A_486 = tpu.memref_squeeze %dma_wait3A_485 : memref<1x128x128xi32, #tpu.memory_space<vmem>> -> memref<128x128xi32, #tpu.memory_space<vmem>>
    %dma_wait3A_487 = arith.constant 0 : i32
    %dma_wait3A_488 = tpu.memref_slice %arg12[%dma_wait3A_481, %dma_wait3A_487] : memref<4x128xi32, #tpu.memory_space<vmem>> -> memref<1x128xi32, #tpu.memory_space<vmem>>
    %dma_wait3A_489 = tpu.memref_squeeze %dma_wait3A_488 : memref<1x128xi32, #tpu.memory_space<vmem>> -> memref<128xi32, #tpu.memory_space<vmem>>
    %dma_wait3A_490 = arith.constant 0 : i32
    %dma_wait3A_491 = arith.constant 0 : i32
    %dma_wait3A_492 = tpu.memref_slice %arg6[%dma_wait3A_490, %dma_wait3A_491] : memref<500288x128xi32, #tpu.memory_space<hbm>> -> memref<500288x128xi32, #tpu.memory_space<hbm>>
    tpu.wait_indirect_dma semaphore(%arg16 : memref<!tpu.dma_semaphore, #tpu.memory_space<semaphore_mem>>) src(%dma_wait3A_492 : memref<500288x128xi32, #tpu.memory_space<hbm>>) dst(%dma_wait3A_486 : memref<128x128xi32, #tpu.memory_space<vmem>>)
    %dma_wait3A_493 = arith.constant 3 : i32
    %dma_wait3A_494 = arith.constant 1 : i32
    %dma_wait3A_495 = arith.constant 0 : i32
    %dma_wait3A_496 = arith.constant 0 : i32
    %dma_wait3A_497 = tpu.memref_slice %arg15[%dma_wait3A_494, %dma_wait3A_495, %dma_wait3A_496] : memref<2x128x128xi32, #tpu.memory_space<vmem>> -> memref<1x128x128xi32, #tpu.memory_space<vmem>>
    %dma_wait3A_498 = tpu.memref_squeeze %dma_wait3A_497 : memref<1x128x128xi32, #tpu.memory_space<vmem>> -> memref<128x128xi32, #tpu.memory_space<vmem>>
    %dma_wait3A_499 = arith.constant 0 : i32
    %dma_wait3A_500 = tpu.memref_slice %arg12[%dma_wait3A_493, %dma_wait3A_499] : memref<4x128xi32, #tpu.memory_space<vmem>> -> memref<1x128xi32, #tpu.memory_space<vmem>>
    %dma_wait3A_501 = tpu.memref_squeeze %dma_wait3A_500 : memref<1x128xi32, #tpu.memory_space<vmem>> -> memref<128xi32, #tpu.memory_space<vmem>>
    %dma_wait3A_502 = arith.constant 0 : i32
    %dma_wait3A_503 = arith.constant 0 : i32
    %dma_wait3A_504 = tpu.memref_slice %arg6[%dma_wait3A_502, %dma_wait3A_503] : memref<500288x128xi32, #tpu.memory_space<hbm>> -> memref<500288x128xi32, #tpu.memory_space<hbm>>
    tpu.wait_indirect_dma semaphore(%arg16 : memref<!tpu.dma_semaphore, #tpu.memory_space<semaphore_mem>>) src(%dma_wait3A_504 : memref<500288x128xi32, #tpu.memory_space<hbm>>) dst(%dma_wait3A_498 : memref<128x128xi32, #tpu.memory_space<vmem>>)
    %add3A_505 = arith.constant 2 : i32
    %add3A_506 = arith.addi %mul3A_2, %add3A_505 : i32
    %dma_start3A_507 = arith.constant 0 : i32
    %dma_start3A_508 = arith.constant 0 : i32
    %dma_start3A_509 = arith.constant 0 : i32
    %dma_start3A_510 = tpu.memref_slice %arg13[%dma_start3A_507, %dma_start3A_508, %dma_start3A_509] : memref<2x128x128xi32, #tpu.memory_space<vmem>> -> memref<1x128x128xi32, #tpu.memory_space<vmem>>
    %dma_start3A_511 = tpu.memref_squeeze %dma_start3A_510 : memref<1x128x128xi32, #tpu.memory_space<vmem>> -> memref<128x128xi32, #tpu.memory_space<vmem>>
    %dma_start3A_512 = arith.constant 0 : i32
    %dma_start3A_513 = arith.constant 0 : i32
    %dma_start3A_514 = tpu.memref_slice %arg7[%add3A_506, %dma_start3A_512, %dma_start3A_513] : memref<128x128x128xi32, #tpu.memory_space<hbm>> -> memref<1x128x128xi32, #tpu.memory_space<hbm>>
    %dma_start3A_515 = tpu.memref_squeeze %dma_start3A_514 : memref<1x128x128xi32, #tpu.memory_space<hbm>> -> memref<128x128xi32, #tpu.memory_space<hbm>>
    %dma_start3A_516 = arith.constant 0 : i32
    %dma_start3A_517 = arith.constant 0 : i32
    %dma_start3A_518 = tpu.memref_slice %arg7[%add3A_506, %dma_start3A_516, %dma_start3A_517] : memref<128x128x128xi32, #tpu.memory_space<hbm>> -> memref<1x128x128xi32, #tpu.memory_space<hbm>>
    %dma_start3A_519 = tpu.memref_squeeze %dma_start3A_518 : memref<1x128x128xi32, #tpu.memory_space<hbm>> -> memref<128x128xi32, #tpu.memory_space<hbm>>
    %dma_start3A_520 = arith.constant 0 : i32
    %dma_start3A_521 = arith.constant 0 : i32
    %dma_start3A_522 = tpu.memref_slice %arg13[%dma_start3A_507, %dma_start3A_520, %dma_start3A_521] : memref<2x128x128xi32, #tpu.memory_space<vmem>> -> memref<1x128x128xi32, #tpu.memory_space<vmem>>
    %dma_start3A_523 = tpu.memref_squeeze %dma_start3A_522 : memref<1x128x128xi32, #tpu.memory_space<vmem>> -> memref<128x128xi32, #tpu.memory_space<vmem>>
    tpu.enqueue_dma source(%dma_start3A_523 : memref<128x128xi32, #tpu.memory_space<vmem>>) target(%dma_start3A_519 : memref<128x128xi32, #tpu.memory_space<hbm>>) target_semaphore(%arg17 : memref<!tpu.dma_semaphore, #tpu.memory_space<semaphore_mem>>)
    %add3A_524 = arith.constant 3 : i32
    %add3A_525 = arith.addi %mul3A_2, %add3A_524 : i32
    %dma_start3A_526 = arith.constant 1 : i32
    %dma_start3A_527 = arith.constant 0 : i32
    %dma_start3A_528 = arith.constant 0 : i32
    %dma_start3A_529 = tpu.memref_slice %arg13[%dma_start3A_526, %dma_start3A_527, %dma_start3A_528] : memref<2x128x128xi32, #tpu.memory_space<vmem>> -> memref<1x128x128xi32, #tpu.memory_space<vmem>>
    %dma_start3A_530 = tpu.memref_squeeze %dma_start3A_529 : memref<1x128x128xi32, #tpu.memory_space<vmem>> -> memref<128x128xi32, #tpu.memory_space<vmem>>
    %dma_start3A_531 = arith.constant 0 : i32
    %dma_start3A_532 = arith.constant 0 : i32
    %dma_start3A_533 = tpu.memref_slice %arg7[%add3A_525, %dma_start3A_531, %dma_start3A_532] : memref<128x128x128xi32, #tpu.memory_space<hbm>> -> memref<1x128x128xi32, #tpu.memory_space<hbm>>
    %dma_start3A_534 = tpu.memref_squeeze %dma_start3A_533 : memref<1x128x128xi32, #tpu.memory_space<hbm>> -> memref<128x128xi32, #tpu.memory_space<hbm>>
    %dma_start3A_535 = arith.constant 0 : i32
    %dma_start3A_536 = arith.constant 0 : i32
    %dma_start3A_537 = tpu.memref_slice %arg7[%add3A_525, %dma_start3A_535, %dma_start3A_536] : memref<128x128x128xi32, #tpu.memory_space<hbm>> -> memref<1x128x128xi32, #tpu.memory_space<hbm>>
    %dma_start3A_538 = tpu.memref_squeeze %dma_start3A_537 : memref<1x128x128xi32, #tpu.memory_space<hbm>> -> memref<128x128xi32, #tpu.memory_space<hbm>>
    %dma_start3A_539 = arith.constant 0 : i32
    %dma_start3A_540 = arith.constant 0 : i32
    %dma_start3A_541 = tpu.memref_slice %arg13[%dma_start3A_526, %dma_start3A_539, %dma_start3A_540] : memref<2x128x128xi32, #tpu.memory_space<vmem>> -> memref<1x128x128xi32, #tpu.memory_space<vmem>>
    %dma_start3A_542 = tpu.memref_squeeze %dma_start3A_541 : memref<1x128x128xi32, #tpu.memory_space<vmem>> -> memref<128x128xi32, #tpu.memory_space<vmem>>
    tpu.enqueue_dma source(%dma_start3A_542 : memref<128x128xi32, #tpu.memory_space<vmem>>) target(%dma_start3A_538 : memref<128x128xi32, #tpu.memory_space<hbm>>) target_semaphore(%arg17 : memref<!tpu.dma_semaphore, #tpu.memory_space<semaphore_mem>>)
    %add3A_543 = arith.constant 2 : i32
    %add3A_544 = arith.addi %mul3A_2, %add3A_543 : i32
    %dma_start3A_545 = arith.constant 0 : i32
    %dma_start3A_546 = arith.constant 0 : i32
    %dma_start3A_547 = arith.constant 0 : i32
    %dma_start3A_548 = tpu.memref_slice %arg14[%dma_start3A_545, %dma_start3A_546, %dma_start3A_547] : memref<2x128x128xi32, #tpu.memory_space<vmem>> -> memref<1x128x128xi32, #tpu.memory_space<vmem>>
    %dma_start3A_549 = tpu.memref_squeeze %dma_start3A_548 : memref<1x128x128xi32, #tpu.memory_space<vmem>> -> memref<128x128xi32, #tpu.memory_space<vmem>>
    %dma_start3A_550 = arith.constant 0 : i32
    %dma_start3A_551 = arith.constant 0 : i32
    %dma_start3A_552 = tpu.memref_slice %arg8[%add3A_544, %dma_start3A_550, %dma_start3A_551] : memref<128x128x128xi32, #tpu.memory_space<hbm>> -> memref<1x128x128xi32, #tpu.memory_space<hbm>>
    %dma_start3A_553 = tpu.memref_squeeze %dma_start3A_552 : memref<1x128x128xi32, #tpu.memory_space<hbm>> -> memref<128x128xi32, #tpu.memory_space<hbm>>
    %dma_start3A_554 = arith.constant 0 : i32
    %dma_start3A_555 = arith.constant 0 : i32
    %dma_start3A_556 = tpu.memref_slice %arg8[%add3A_544, %dma_start3A_554, %dma_start3A_555] : memref<128x128x128xi32, #tpu.memory_space<hbm>> -> memref<1x128x128xi32, #tpu.memory_space<hbm>>
    %dma_start3A_557 = tpu.memref_squeeze %dma_start3A_556 : memref<1x128x128xi32, #tpu.memory_space<hbm>> -> memref<128x128xi32, #tpu.memory_space<hbm>>
    %dma_start3A_558 = arith.constant 0 : i32
    %dma_start3A_559 = arith.constant 0 : i32
    %dma_start3A_560 = tpu.memref_slice %arg14[%dma_start3A_545, %dma_start3A_558, %dma_start3A_559] : memref<2x128x128xi32, #tpu.memory_space<vmem>> -> memref<1x128x128xi32, #tpu.memory_space<vmem>>
    %dma_start3A_561 = tpu.memref_squeeze %dma_start3A_560 : memref<1x128x128xi32, #tpu.memory_space<vmem>> -> memref<128x128xi32, #tpu.memory_space<vmem>>
    tpu.enqueue_dma source(%dma_start3A_561 : memref<128x128xi32, #tpu.memory_space<vmem>>) target(%dma_start3A_557 : memref<128x128xi32, #tpu.memory_space<hbm>>) target_semaphore(%arg17 : memref<!tpu.dma_semaphore, #tpu.memory_space<semaphore_mem>>)
    %add3A_562 = arith.constant 3 : i32
    %add3A_563 = arith.addi %mul3A_2, %add3A_562 : i32
    %dma_start3A_564 = arith.constant 1 : i32
    %dma_start3A_565 = arith.constant 0 : i32
    %dma_start3A_566 = arith.constant 0 : i32
    %dma_start3A_567 = tpu.memref_slice %arg14[%dma_start3A_564, %dma_start3A_565, %dma_start3A_566] : memref<2x128x128xi32, #tpu.memory_space<vmem>> -> memref<1x128x128xi32, #tpu.memory_space<vmem>>
    %dma_start3A_568 = tpu.memref_squeeze %dma_start3A_567 : memref<1x128x128xi32, #tpu.memory_space<vmem>> -> memref<128x128xi32, #tpu.memory_space<vmem>>
    %dma_start3A_569 = arith.constant 0 : i32
    %dma_start3A_570 = arith.constant 0 : i32
    %dma_start3A_571 = tpu.memref_slice %arg8[%add3A_563, %dma_start3A_569, %dma_start3A_570] : memref<128x128x128xi32, #tpu.memory_space<hbm>> -> memref<1x128x128xi32, #tpu.memory_space<hbm>>
    %dma_start3A_572 = tpu.memref_squeeze %dma_start3A_571 : memref<1x128x128xi32, #tpu.memory_space<hbm>> -> memref<128x128xi32, #tpu.memory_space<hbm>>
    %dma_start3A_573 = arith.constant 0 : i32
    %dma_start3A_574 = arith.constant 0 : i32
    %dma_start3A_575 = tpu.memref_slice %arg8[%add3A_563, %dma_start3A_573, %dma_start3A_574] : memref<128x128x128xi32, #tpu.memory_space<hbm>> -> memref<1x128x128xi32, #tpu.memory_space<hbm>>
    %dma_start3A_576 = tpu.memref_squeeze %dma_start3A_575 : memref<1x128x128xi32, #tpu.memory_space<hbm>> -> memref<128x128xi32, #tpu.memory_space<hbm>>
    %dma_start3A_577 = arith.constant 0 : i32
    %dma_start3A_578 = arith.constant 0 : i32
    %dma_start3A_579 = tpu.memref_slice %arg14[%dma_start3A_564, %dma_start3A_577, %dma_start3A_578] : memref<2x128x128xi32, #tpu.memory_space<vmem>> -> memref<1x128x128xi32, #tpu.memory_space<vmem>>
    %dma_start3A_580 = tpu.memref_squeeze %dma_start3A_579 : memref<1x128x128xi32, #tpu.memory_space<vmem>> -> memref<128x128xi32, #tpu.memory_space<vmem>>
    tpu.enqueue_dma source(%dma_start3A_580 : memref<128x128xi32, #tpu.memory_space<vmem>>) target(%dma_start3A_576 : memref<128x128xi32, #tpu.memory_space<hbm>>) target_semaphore(%arg17 : memref<!tpu.dma_semaphore, #tpu.memory_space<semaphore_mem>>)
    %add3A_581 = arith.constant 2 : i32
    %add3A_582 = arith.addi %mul3A_2, %add3A_581 : i32
    %dma_start3A_583 = arith.constant 0 : i32
    %dma_start3A_584 = arith.constant 0 : i32
    %dma_start3A_585 = arith.constant 0 : i32
    %dma_start3A_586 = tpu.memref_slice %arg15[%dma_start3A_583, %dma_start3A_584, %dma_start3A_585] : memref<2x128x128xi32, #tpu.memory_space<vmem>> -> memref<1x128x128xi32, #tpu.memory_space<vmem>>
    %dma_start3A_587 = tpu.memref_squeeze %dma_start3A_586 : memref<1x128x128xi32, #tpu.memory_space<vmem>> -> memref<128x128xi32, #tpu.memory_space<vmem>>
    %dma_start3A_588 = arith.constant 0 : i32
    %dma_start3A_589 = arith.constant 0 : i32
    %dma_start3A_590 = tpu.memref_slice %arg9[%add3A_582, %dma_start3A_588, %dma_start3A_589] : memref<128x128x128xi32, #tpu.memory_space<hbm>> -> memref<1x128x128xi32, #tpu.memory_space<hbm>>
    %dma_start3A_591 = tpu.memref_squeeze %dma_start3A_590 : memref<1x128x128xi32, #tpu.memory_space<hbm>> -> memref<128x128xi32, #tpu.memory_space<hbm>>
    %dma_start3A_592 = arith.constant 0 : i32
    %dma_start3A_593 = arith.constant 0 : i32
    %dma_start3A_594 = tpu.memref_slice %arg9[%add3A_582, %dma_start3A_592, %dma_start3A_593] : memref<128x128x128xi32, #tpu.memory_space<hbm>> -> memref<1x128x128xi32, #tpu.memory_space<hbm>>
    %dma_start3A_595 = tpu.memref_squeeze %dma_start3A_594 : memref<1x128x128xi32, #tpu.memory_space<hbm>> -> memref<128x128xi32, #tpu.memory_space<hbm>>
    %dma_start3A_596 = arith.constant 0 : i32
    %dma_start3A_597 = arith.constant 0 : i32
    %dma_start3A_598 = tpu.memref_slice %arg15[%dma_start3A_583, %dma_start3A_596, %dma_start3A_597] : memref<2x128x128xi32, #tpu.memory_space<vmem>> -> memref<1x128x128xi32, #tpu.memory_space<vmem>>
    %dma_start3A_599 = tpu.memref_squeeze %dma_start3A_598 : memref<1x128x128xi32, #tpu.memory_space<vmem>> -> memref<128x128xi32, #tpu.memory_space<vmem>>
    tpu.enqueue_dma source(%dma_start3A_599 : memref<128x128xi32, #tpu.memory_space<vmem>>) target(%dma_start3A_595 : memref<128x128xi32, #tpu.memory_space<hbm>>) target_semaphore(%arg17 : memref<!tpu.dma_semaphore, #tpu.memory_space<semaphore_mem>>)
    %add3A_600 = arith.constant 3 : i32
    %add3A_601 = arith.addi %mul3A_2, %add3A_600 : i32
    %dma_start3A_602 = arith.constant 1 : i32
    %dma_start3A_603 = arith.constant 0 : i32
    %dma_start3A_604 = arith.constant 0 : i32
    %dma_start3A_605 = tpu.memref_slice %arg15[%dma_start3A_602, %dma_start3A_603, %dma_start3A_604] : memref<2x128x128xi32, #tpu.memory_space<vmem>> -> memref<1x128x128xi32, #tpu.memory_space<vmem>>
    %dma_start3A_606 = tpu.memref_squeeze %dma_start3A_605 : memref<1x128x128xi32, #tpu.memory_space<vmem>> -> memref<128x128xi32, #tpu.memory_space<vmem>>
    %dma_start3A_607 = arith.constant 0 : i32
    %dma_start3A_608 = arith.constant 0 : i32
    %dma_start3A_609 = tpu.memref_slice %arg9[%add3A_601, %dma_start3A_607, %dma_start3A_608] : memref<128x128x128xi32, #tpu.memory_space<hbm>> -> memref<1x128x128xi32, #tpu.memory_space<hbm>>
    %dma_start3A_610 = tpu.memref_squeeze %dma_start3A_609 : memref<1x128x128xi32, #tpu.memory_space<hbm>> -> memref<128x128xi32, #tpu.memory_space<hbm>>
    %dma_start3A_611 = arith.constant 0 : i32
    %dma_start3A_612 = arith.constant 0 : i32
    %dma_start3A_613 = tpu.memref_slice %arg9[%add3A_601, %dma_start3A_611, %dma_start3A_612] : memref<128x128x128xi32, #tpu.memory_space<hbm>> -> memref<1x128x128xi32, #tpu.memory_space<hbm>>
    %dma_start3A_614 = tpu.memref_squeeze %dma_start3A_613 : memref<1x128x128xi32, #tpu.memory_space<hbm>> -> memref<128x128xi32, #tpu.memory_space<hbm>>
    %dma_start3A_615 = arith.constant 0 : i32
    %dma_start3A_616 = arith.constant 0 : i32
    %dma_start3A_617 = tpu.memref_slice %arg15[%dma_start3A_602, %dma_start3A_615, %dma_start3A_616] : memref<2x128x128xi32, #tpu.memory_space<vmem>> -> memref<1x128x128xi32, #tpu.memory_space<vmem>>
    %dma_start3A_618 = tpu.memref_squeeze %dma_start3A_617 : memref<1x128x128xi32, #tpu.memory_space<vmem>> -> memref<128x128xi32, #tpu.memory_space<vmem>>
    tpu.enqueue_dma source(%dma_start3A_618 : memref<128x128xi32, #tpu.memory_space<vmem>>) target(%dma_start3A_614 : memref<128x128xi32, #tpu.memory_space<hbm>>) target_semaphore(%arg17 : memref<!tpu.dma_semaphore, #tpu.memory_space<semaphore_mem>>)
    %dma_wait3A_619 = arith.constant 0 : i32
    %dma_wait3A_620 = arith.constant 0 : i32
    %dma_wait3A_621 = arith.constant 0 : i32
    %dma_wait3A_622 = tpu.memref_slice %arg13[%dma_wait3A_619, %dma_wait3A_620, %dma_wait3A_621] : memref<2x128x128xi32, #tpu.memory_space<vmem>> -> memref<1x128x128xi32, #tpu.memory_space<vmem>>
    %dma_wait3A_623 = tpu.memref_squeeze %dma_wait3A_622 : memref<1x128x128xi32, #tpu.memory_space<vmem>> -> memref<128x128xi32, #tpu.memory_space<vmem>>
    %dma_wait3A_624 = arith.constant 0 : i32
    %dma_wait3A_625 = arith.constant 0 : i32
    %dma_wait3A_626 = tpu.memref_slice %arg7[%add3A_506, %dma_wait3A_624, %dma_wait3A_625] : memref<128x128x128xi32, #tpu.memory_space<hbm>> -> memref<1x128x128xi32, #tpu.memory_space<hbm>>
    %dma_wait3A_627 = tpu.memref_squeeze %dma_wait3A_626 : memref<1x128x128xi32, #tpu.memory_space<hbm>> -> memref<128x128xi32, #tpu.memory_space<hbm>>
    %dma_wait3A_628 = arith.constant 0 : i32
    %dma_wait3A_629 = arith.constant 0 : i32
    %dma_wait3A_630 = tpu.memref_slice %arg7[%add3A_506, %dma_wait3A_628, %dma_wait3A_629] : memref<128x128x128xi32, #tpu.memory_space<hbm>> -> memref<1x128x128xi32, #tpu.memory_space<hbm>>
    %dma_wait3A_631 = tpu.memref_squeeze %dma_wait3A_630 : memref<1x128x128xi32, #tpu.memory_space<hbm>> -> memref<128x128xi32, #tpu.memory_space<hbm>>
    %dma_wait3A_632 = arith.constant 0 : i32
    %dma_wait3A_633 = arith.constant 0 : i32
    %dma_wait3A_634 = tpu.memref_slice %arg13[%dma_wait3A_619, %dma_wait3A_632, %dma_wait3A_633] : memref<2x128x128xi32, #tpu.memory_space<vmem>> -> memref<1x128x128xi32, #tpu.memory_space<vmem>>
    %dma_wait3A_635 = tpu.memref_squeeze %dma_wait3A_634 : memref<1x128x128xi32, #tpu.memory_space<vmem>> -> memref<128x128xi32, #tpu.memory_space<vmem>>
    tpu.wait_dma2 semaphore(%arg17 : memref<!tpu.dma_semaphore, #tpu.memory_space<semaphore_mem>>) src(%dma_wait3A_635 : memref<128x128xi32, #tpu.memory_space<vmem>>) dst(%dma_wait3A_631 : memref<128x128xi32, #tpu.memory_space<hbm>>)
    %dma_wait3A_636 = arith.constant 1 : i32
    %dma_wait3A_637 = arith.constant 0 : i32
    %dma_wait3A_638 = arith.constant 0 : i32
    %dma_wait3A_639 = tpu.memref_slice %arg13[%dma_wait3A_636, %dma_wait3A_637, %dma_wait3A_638] : memref<2x128x128xi32, #tpu.memory_space<vmem>> -> memref<1x128x128xi32, #tpu.memory_space<vmem>>
    %dma_wait3A_640 = tpu.memref_squeeze %dma_wait3A_639 : memref<1x128x128xi32, #tpu.memory_space<vmem>> -> memref<128x128xi32, #tpu.memory_space<vmem>>
    %dma_wait3A_641 = arith.constant 0 : i32
    %dma_wait3A_642 = arith.constant 0 : i32
    %dma_wait3A_643 = tpu.memref_slice %arg7[%add3A_525, %dma_wait3A_641, %dma_wait3A_642] : memref<128x128x128xi32, #tpu.memory_space<hbm>> -> memref<1x128x128xi32, #tpu.memory_space<hbm>>
    %dma_wait3A_644 = tpu.memref_squeeze %dma_wait3A_643 : memref<1x128x128xi32, #tpu.memory_space<hbm>> -> memref<128x128xi32, #tpu.memory_space<hbm>>
    %dma_wait3A_645 = arith.constant 0 : i32
    %dma_wait3A_646 = arith.constant 0 : i32
    %dma_wait3A_647 = tpu.memref_slice %arg7[%add3A_525, %dma_wait3A_645, %dma_wait3A_646] : memref<128x128x128xi32, #tpu.memory_space<hbm>> -> memref<1x128x128xi32, #tpu.memory_space<hbm>>
    %dma_wait3A_648 = tpu.memref_squeeze %dma_wait3A_647 : memref<1x128x128xi32, #tpu.memory_space<hbm>> -> memref<128x128xi32, #tpu.memory_space<hbm>>
    %dma_wait3A_649 = arith.constant 0 : i32
    %dma_wait3A_650 = arith.constant 0 : i32
    %dma_wait3A_651 = tpu.memref_slice %arg13[%dma_wait3A_636, %dma_wait3A_649, %dma_wait3A_650] : memref<2x128x128xi32, #tpu.memory_space<vmem>> -> memref<1x128x128xi32, #tpu.memory_space<vmem>>
    %dma_wait3A_652 = tpu.memref_squeeze %dma_wait3A_651 : memref<1x128x128xi32, #tpu.memory_space<vmem>> -> memref<128x128xi32, #tpu.memory_space<vmem>>
    tpu.wait_dma2 semaphore(%arg17 : memref<!tpu.dma_semaphore, #tpu.memory_space<semaphore_mem>>) src(%dma_wait3A_652 : memref<128x128xi32, #tpu.memory_space<vmem>>) dst(%dma_wait3A_648 : memref<128x128xi32, #tpu.memory_space<hbm>>)
    %dma_wait3A_653 = arith.constant 0 : i32
    %dma_wait3A_654 = arith.constant 0 : i32
    %dma_wait3A_655 = arith.constant 0 : i32
    %dma_wait3A_656 = tpu.memref_slice %arg14[%dma_wait3A_653, %dma_wait3A_654, %dma_wait3A_655] : memref<2x128x128xi32, #tpu.memory_space<vmem>> -> memref<1x128x128xi32, #tpu.memory_space<vmem>>
    %dma_wait3A_657 = tpu.memref_squeeze %dma_wait3A_656 : memref<1x128x128xi32, #tpu.memory_space<vmem>> -> memref<128x128xi32, #tpu.memory_space<vmem>>
    %dma_wait3A_658 = arith.constant 0 : i32
    %dma_wait3A_659 = arith.constant 0 : i32
    %dma_wait3A_660 = tpu.memref_slice %arg8[%add3A_544, %dma_wait3A_658, %dma_wait3A_659] : memref<128x128x128xi32, #tpu.memory_space<hbm>> -> memref<1x128x128xi32, #tpu.memory_space<hbm>>
    %dma_wait3A_661 = tpu.memref_squeeze %dma_wait3A_660 : memref<1x128x128xi32, #tpu.memory_space<hbm>> -> memref<128x128xi32, #tpu.memory_space<hbm>>
    %dma_wait3A_662 = arith.constant 0 : i32
    %dma_wait3A_663 = arith.constant 0 : i32
    %dma_wait3A_664 = tpu.memref_slice %arg8[%add3A_544, %dma_wait3A_662, %dma_wait3A_663] : memref<128x128x128xi32, #tpu.memory_space<hbm>> -> memref<1x128x128xi32, #tpu.memory_space<hbm>>
    %dma_wait3A_665 = tpu.memref_squeeze %dma_wait3A_664 : memref<1x128x128xi32, #tpu.memory_space<hbm>> -> memref<128x128xi32, #tpu.memory_space<hbm>>
    %dma_wait3A_666 = arith.constant 0 : i32
    %dma_wait3A_667 = arith.constant 0 : i32
    %dma_wait3A_668 = tpu.memref_slice %arg14[%dma_wait3A_653, %dma_wait3A_666, %dma_wait3A_667] : memref<2x128x128xi32, #tpu.memory_space<vmem>> -> memref<1x128x128xi32, #tpu.memory_space<vmem>>
    %dma_wait3A_669 = tpu.memref_squeeze %dma_wait3A_668 : memref<1x128x128xi32, #tpu.memory_space<vmem>> -> memref<128x128xi32, #tpu.memory_space<vmem>>
    tpu.wait_dma2 semaphore(%arg17 : memref<!tpu.dma_semaphore, #tpu.memory_space<semaphore_mem>>) src(%dma_wait3A_669 : memref<128x128xi32, #tpu.memory_space<vmem>>) dst(%dma_wait3A_665 : memref<128x128xi32, #tpu.memory_space<hbm>>)
    %dma_wait3A_670 = arith.constant 1 : i32
    %dma_wait3A_671 = arith.constant 0 : i32
    %dma_wait3A_672 = arith.constant 0 : i32
    %dma_wait3A_673 = tpu.memref_slice %arg14[%dma_wait3A_670, %dma_wait3A_671, %dma_wait3A_672] : memref<2x128x128xi32, #tpu.memory_space<vmem>> -> memref<1x128x128xi32, #tpu.memory_space<vmem>>
    %dma_wait3A_674 = tpu.memref_squeeze %dma_wait3A_673 : memref<1x128x128xi32, #tpu.memory_space<vmem>> -> memref<128x128xi32, #tpu.memory_space<vmem>>
    %dma_wait3A_675 = arith.constant 0 : i32
    %dma_wait3A_676 = arith.constant 0 : i32
    %dma_wait3A_677 = tpu.memref_slice %arg8[%add3A_563, %dma_wait3A_675, %dma_wait3A_676] : memref<128x128x128xi32, #tpu.memory_space<hbm>> -> memref<1x128x128xi32, #tpu.memory_space<hbm>>
    %dma_wait3A_678 = tpu.memref_squeeze %dma_wait3A_677 : memref<1x128x128xi32, #tpu.memory_space<hbm>> -> memref<128x128xi32, #tpu.memory_space<hbm>>
    %dma_wait3A_679 = arith.constant 0 : i32
    %dma_wait3A_680 = arith.constant 0 : i32
    %dma_wait3A_681 = tpu.memref_slice %arg8[%add3A_563, %dma_wait3A_679, %dma_wait3A_680] : memref<128x128x128xi32, #tpu.memory_space<hbm>> -> memref<1x128x128xi32, #tpu.memory_space<hbm>>
    %dma_wait3A_682 = tpu.memref_squeeze %dma_wait3A_681 : memref<1x128x128xi32, #tpu.memory_space<hbm>> -> memref<128x128xi32, #tpu.memory_space<hbm>>
    %dma_wait3A_683 = arith.constant 0 : i32
    %dma_wait3A_684 = arith.constant 0 : i32
    %dma_wait3A_685 = tpu.memref_slice %arg14[%dma_wait3A_670, %dma_wait3A_683, %dma_wait3A_684] : memref<2x128x128xi32, #tpu.memory_space<vmem>> -> memref<1x128x128xi32, #tpu.memory_space<vmem>>
    %dma_wait3A_686 = tpu.memref_squeeze %dma_wait3A_685 : memref<1x128x128xi32, #tpu.memory_space<vmem>> -> memref<128x128xi32, #tpu.memory_space<vmem>>
    tpu.wait_dma2 semaphore(%arg17 : memref<!tpu.dma_semaphore, #tpu.memory_space<semaphore_mem>>) src(%dma_wait3A_686 : memref<128x128xi32, #tpu.memory_space<vmem>>) dst(%dma_wait3A_682 : memref<128x128xi32, #tpu.memory_space<hbm>>)
    %dma_wait3A_687 = arith.constant 0 : i32
    %dma_wait3A_688 = arith.constant 0 : i32
    %dma_wait3A_689 = arith.constant 0 : i32
    %dma_wait3A_690 = tpu.memref_slice %arg15[%dma_wait3A_687, %dma_wait3A_688, %dma_wait3A_689] : memref<2x128x128xi32, #tpu.memory_space<vmem>> -> memref<1x128x128xi32, #tpu.memory_space<vmem>>
    %dma_wait3A_691 = tpu.memref_squeeze %dma_wait3A_690 : memref<1x128x128xi32, #tpu.memory_space<vmem>> -> memref<128x128xi32, #tpu.memory_space<vmem>>
    %dma_wait3A_692 = arith.constant 0 : i32
    %dma_wait3A_693 = arith.constant 0 : i32
    %dma_wait3A_694 = tpu.memref_slice %arg9[%add3A_582, %dma_wait3A_692, %dma_wait3A_693] : memref<128x128x128xi32, #tpu.memory_space<hbm>> -> memref<1x128x128xi32, #tpu.memory_space<hbm>>
    %dma_wait3A_695 = tpu.memref_squeeze %dma_wait3A_694 : memref<1x128x128xi32, #tpu.memory_space<hbm>> -> memref<128x128xi32, #tpu.memory_space<hbm>>
    %dma_wait3A_696 = arith.constant 0 : i32
    %dma_wait3A_697 = arith.constant 0 : i32
    %dma_wait3A_698 = tpu.memref_slice %arg9[%add3A_582, %dma_wait3A_696, %dma_wait3A_697] : memref<128x128x128xi32, #tpu.memory_space<hbm>> -> memref<1x128x128xi32, #tpu.memory_space<hbm>>
    %dma_wait3A_699 = tpu.memref_squeeze %dma_wait3A_698 : memref<1x128x128xi32, #tpu.memory_space<hbm>> -> memref<128x128xi32, #tpu.memory_space<hbm>>
    %dma_wait3A_700 = arith.constant 0 : i32
    %dma_wait3A_701 = arith.constant 0 : i32
    %dma_wait3A_702 = tpu.memref_slice %arg15[%dma_wait3A_687, %dma_wait3A_700, %dma_wait3A_701] : memref<2x128x128xi32, #tpu.memory_space<vmem>> -> memref<1x128x128xi32, #tpu.memory_space<vmem>>
    %dma_wait3A_703 = tpu.memref_squeeze %dma_wait3A_702 : memref<1x128x128xi32, #tpu.memory_space<vmem>> -> memref<128x128xi32, #tpu.memory_space<vmem>>
    tpu.wait_dma2 semaphore(%arg17 : memref<!tpu.dma_semaphore, #tpu.memory_space<semaphore_mem>>) src(%dma_wait3A_703 : memref<128x128xi32, #tpu.memory_space<vmem>>) dst(%dma_wait3A_699 : memref<128x128xi32, #tpu.memory_space<hbm>>)
    %dma_wait3A_704 = arith.constant 1 : i32
    %dma_wait3A_705 = arith.constant 0 : i32
    %dma_wait3A_706 = arith.constant 0 : i32
    %dma_wait3A_707 = tpu.memref_slice %arg15[%dma_wait3A_704, %dma_wait3A_705, %dma_wait3A_706] : memref<2x128x128xi32, #tpu.memory_space<vmem>> -> memref<1x128x128xi32, #tpu.memory_space<vmem>>
    %dma_wait3A_708 = tpu.memref_squeeze %dma_wait3A_707 : memref<1x128x128xi32, #tpu.memory_space<vmem>> -> memref<128x128xi32, #tpu.memory_space<vmem>>
    %dma_wait3A_709 = arith.constant 0 : i32
    %dma_wait3A_710 = arith.constant 0 : i32
    %dma_wait3A_711 = tpu.memref_slice %arg9[%add3A_601, %dma_wait3A_709, %dma_wait3A_710] : memref<128x128x128xi32, #tpu.memory_space<hbm>> -> memref<1x128x128xi32, #tpu.memory_space<hbm>>
    %dma_wait3A_712 = tpu.memref_squeeze %dma_wait3A_711 : memref<1x128x128xi32, #tpu.memory_space<hbm>> -> memref<128x128xi32, #tpu.memory_space<hbm>>
    %dma_wait3A_713 = arith.constant 0 : i32
    %dma_wait3A_714 = arith.constant 0 : i32
    %dma_wait3A_715 = tpu.memref_slice %arg9[%add3A_601, %dma_wait3A_713, %dma_wait3A_714] : memref<128x128x128xi32, #tpu.memory_space<hbm>> -> memref<1x128x128xi32, #tpu.memory_space<hbm>>
    %dma_wait3A_716 = tpu.memref_squeeze %dma_wait3A_715 : memref<1x128x128xi32, #tpu.memory_space<hbm>> -> memref<128x128xi32, #tpu.memory_space<hbm>>
    %dma_wait3A_717 = arith.constant 0 : i32
    %dma_wait3A_718 = arith.constant 0 : i32
    %dma_wait3A_719 = tpu.memref_slice %arg15[%dma_wait3A_704, %dma_wait3A_717, %dma_wait3A_718] : memref<2x128x128xi32, #tpu.memory_space<vmem>> -> memref<1x128x128xi32, #tpu.memory_space<vmem>>
    %dma_wait3A_720 = tpu.memref_squeeze %dma_wait3A_719 : memref<1x128x128xi32, #tpu.memory_space<vmem>> -> memref<128x128xi32, #tpu.memory_space<vmem>>
    tpu.wait_dma2 semaphore(%arg17 : memref<!tpu.dma_semaphore, #tpu.memory_space<semaphore_mem>>) src(%dma_wait3A_720 : memref<128x128xi32, #tpu.memory_space<vmem>>) dst(%dma_wait3A_716 : memref<128x128xi32, #tpu.memory_space<hbm>>)
    return
  }
}

module attributes {stable_mosaic.version = 14 : i64} {
  func.func @_fold_body(%arg0: i32, %arg1: memref<64x8192xf32, #tpu.memory_space<vmem>>, %arg2: memref<64x8192xf32, #tpu.memory_space<vmem>>, %arg3: memref<64x8192xf32, #tpu.memory_space<vmem>>, %arg4: memref<64x8192xf32, #tpu.memory_space<vmem>>, %arg5: memref<64x128xf32, #tpu.memory_space<vmem>>, %arg6: memref<64x128xf32, #tpu.memory_space<vmem>>, %arg7: memref<8192x128xi32, #tpu.memory_space<vmem>>, %arg8: memref<8192x128xi32, #tpu.memory_space<vmem>>) attributes {dimension_semantics = [#tpu.dimension_semantics<arbitrary>], iteration_bounds = array<i64: 69>, scalar_prefetch = 0 : i64, scratch_operands = 0 : i64, tpu.core_type = #tpu.core_type<tc>, window_params = [{transform_indices = @transform_0, window_bounds = array<i64: 64, 8192>}, {transform_indices = @transform_1, window_bounds = array<i64: 64, 8192>}, {transform_indices = @transform_2, window_bounds = array<i64: 64, 8192>}, {transform_indices = @transform_3, window_bounds = array<i64: 64, 8192>}, {pipeline_mode = #tpu.pipeline_mode<synchronous>, transform_indices = @transform_4, window_bounds = array<i64: 64, 128>}, {pipeline_mode = #tpu.pipeline_mode<synchronous>, transform_indices = @transform_5, window_bounds = array<i64: 64, 128>}, {transform_indices = @transform_6, window_bounds = array<i64: 8192, 128>}, {transform_indices = @transform_7, window_bounds = array<i64: 8192, 128>}]} {
    %lt3A = arith.constant 62 : i32
    %lt3A_0 = arith.cmpi slt, %arg0, %lt3A : i32
    %convert_element_type3A = arith.extui %lt3A_0 : i1 to i32
    %cond3A = arith.constant 0 : i32
    %cond3A_1 = arith.cmpi ne, %convert_element_type3A, %cond3A : i32
    scf.if %cond3A_1 {
      %get3A = arith.constant 0 : index
      %get3A_6 = arith.constant 0 : index
      %get3A_7 = vector.load %arg1[%get3A, %get3A_6] : memref<64x8192xf32, #tpu.memory_space<vmem>>, vector<64x8192xf32>
      %get3A_8 = arith.constant 0 : index
      %get3A_9 = arith.constant 0 : index
      %get3A_10 = vector.load %arg2[%get3A_8, %get3A_9] : memref<64x8192xf32, #tpu.memory_space<vmem>>, vector<64x8192xf32>
      %get3A_11 = arith.constant 0 : index
      %get3A_12 = arith.constant 0 : index
      %get3A_13 = vector.load %arg5[%get3A_11, %get3A_12] : memref<64x128xf32, #tpu.memory_space<vmem>>, vector<64x128xf32>
      %convert_element_type3A_14 = arith.truncf %get3A_13 : vector<64x128xf32> to vector<64x128xbf16>
      %convert_element_type3A_15 = arith.truncf %get3A_7 : vector<64x8192xf32> to vector<64x8192xbf16>
      %dot_general3A = arith.constant dense<0.000000e+00> : vector<8192x128xf32>
      %dot_general3A_16 = tpu.matmul %convert_element_type3A_15, %convert_element_type3A_14, %dot_general3A {dimension_numbers = #tpu.dot_dimension_numbers<[0], [0], [1], [1], [0, 1, 1, 1], [], []>, transpose_lhs_hint = true} : vector<64x8192xbf16>, vector<64x128xbf16>, vector<8192x128xf32> -> vector<8192x128xf32>
      %convert_element_type3A_17 = arith.truncf %dot_general3A_16 : vector<8192x128xf32> to vector<8192x128xbf16>
      %convert_element_type3A_18 = arith.extf %convert_element_type3A_17 : vector<8192x128xbf16> to vector<8192x128xf32>
      %convert_element_type3A_19 = arith.truncf %get3A_10 : vector<64x8192xf32> to vector<64x8192xbf16>
      %dot_general3A_20 = arith.constant dense<0.000000e+00> : vector<8192x128xf32>
      %dot_general3A_21 = tpu.matmul %convert_element_type3A_19, %convert_element_type3A_14, %dot_general3A_20 {dimension_numbers = #tpu.dot_dimension_numbers<[0], [0], [1], [1], [0, 1, 1, 1], [], []>, transpose_lhs_hint = true} : vector<64x8192xbf16>, vector<64x128xbf16>, vector<8192x128xf32> -> vector<8192x128xf32>
      %convert_element_type3A_22 = arith.truncf %dot_general3A_21 : vector<8192x128xf32> to vector<8192x128xbf16>
      %convert_element_type3A_23 = arith.extf %convert_element_type3A_22 : vector<8192x128xbf16> to vector<8192x128xf32>
      %bitcast_convert_type3A = tpu.bitcast %convert_element_type3A_18 : vector<8192x128xf32> -> vector<8192x128xi32>
      %shift_right_logical3A = arith.constant 16 : i32
      %shift_right_logical3A_24 = vector.broadcast %shift_right_logical3A : i32 to vector<8192x128xi32>
      %shift_right_logical3A_25 = arith.shrui %bitcast_convert_type3A, %shift_right_logical3A_24 : vector<8192x128xi32>
      %bitcast_convert_type3A_26 = tpu.bitcast %convert_element_type3A_23 : vector<8192x128xf32> -> vector<8192x128xi32>
      %and3A = arith.constant -65536 : i32
      %and3A_27 = vector.broadcast %and3A : i32 to vector<8192x128xi32>
      %and3A_28 = arith.andi %bitcast_convert_type3A_26, %and3A_27 : vector<8192x128xi32>
      %or3A = arith.ori %shift_right_logical3A_25, %and3A_28 : vector<8192x128xi32>
      %swap3A = arith.constant 0 : index
      %swap3A_29 = arith.constant 0 : index
      %swap3A_30 = vector.load %arg7[%swap3A, %swap3A_29] : memref<8192x128xi32, #tpu.memory_space<vmem>>, vector<8192x128xi32>
      tpu.vector_store %arg7[%swap3A, %swap3A_29], %or3A {strides = array<i32>} : memref<8192x128xi32, #tpu.memory_space<vmem>>, vector<8192x128xi32>,
    } else {
    }
    %ge3A = arith.constant 62 : i32
    %ge3A_2 = arith.cmpi sge, %arg0, %ge3A : i32
    %convert_element_type3A_3 = arith.extui %ge3A_2 : i1 to i32
    %cond3A_4 = arith.constant 0 : i32
    %cond3A_5 = arith.cmpi ne, %convert_element_type3A_3, %cond3A_4 : i32
    scf.if %cond3A_5 {
      %get3A = arith.constant 0 : index
      %get3A_6 = arith.constant 0 : index
      %get3A_7 = vector.load %arg3[%get3A, %get3A_6] : memref<64x8192xf32, #tpu.memory_space<vmem>>, vector<64x8192xf32>
      %get3A_8 = arith.constant 0 : index
      %get3A_9 = arith.constant 0 : index
      %get3A_10 = vector.load %arg4[%get3A_8, %get3A_9] : memref<64x8192xf32, #tpu.memory_space<vmem>>, vector<64x8192xf32>
      %get3A_11 = arith.constant 0 : index
      %get3A_12 = arith.constant 0 : index
      %get3A_13 = vector.load %arg6[%get3A_11, %get3A_12] : memref<64x128xf32, #tpu.memory_space<vmem>>, vector<64x128xf32>
      %convert_element_type3A_14 = arith.truncf %get3A_13 : vector<64x128xf32> to vector<64x128xbf16>
      %convert_element_type3A_15 = arith.truncf %get3A_7 : vector<64x8192xf32> to vector<64x8192xbf16>
      %dot_general3A = arith.constant dense<0.000000e+00> : vector<8192x128xf32>
      %dot_general3A_16 = tpu.matmul %convert_element_type3A_15, %convert_element_type3A_14, %dot_general3A {dimension_numbers = #tpu.dot_dimension_numbers<[0], [0], [1], [1], [0, 1, 1, 1], [], []>, transpose_lhs_hint = true} : vector<64x8192xbf16>, vector<64x128xbf16>, vector<8192x128xf32> -> vector<8192x128xf32>
      %convert_element_type3A_17 = arith.truncf %dot_general3A_16 : vector<8192x128xf32> to vector<8192x128xbf16>
      %convert_element_type3A_18 = arith.extf %convert_element_type3A_17 : vector<8192x128xbf16> to vector<8192x128xf32>
      %convert_element_type3A_19 = arith.truncf %get3A_10 : vector<64x8192xf32> to vector<64x8192xbf16>
      %dot_general3A_20 = arith.constant dense<0.000000e+00> : vector<8192x128xf32>
      %dot_general3A_21 = tpu.matmul %convert_element_type3A_19, %convert_element_type3A_14, %dot_general3A_20 {dimension_numbers = #tpu.dot_dimension_numbers<[0], [0], [1], [1], [0, 1, 1, 1], [], []>, transpose_lhs_hint = true} : vector<64x8192xbf16>, vector<64x128xbf16>, vector<8192x128xf32> -> vector<8192x128xf32>
      %convert_element_type3A_22 = arith.truncf %dot_general3A_21 : vector<8192x128xf32> to vector<8192x128xbf16>
      %convert_element_type3A_23 = arith.extf %convert_element_type3A_22 : vector<8192x128xbf16> to vector<8192x128xf32>
      %bitcast_convert_type3A = tpu.bitcast %convert_element_type3A_18 : vector<8192x128xf32> -> vector<8192x128xi32>
      %shift_right_logical3A = arith.constant 16 : i32
      %shift_right_logical3A_24 = vector.broadcast %shift_right_logical3A : i32 to vector<8192x128xi32>
      %shift_right_logical3A_25 = arith.shrui %bitcast_convert_type3A, %shift_right_logical3A_24 : vector<8192x128xi32>
      %bitcast_convert_type3A_26 = tpu.bitcast %convert_element_type3A_23 : vector<8192x128xf32> -> vector<8192x128xi32>
      %and3A = arith.constant -65536 : i32
      %and3A_27 = vector.broadcast %and3A : i32 to vector<8192x128xi32>
      %and3A_28 = arith.andi %bitcast_convert_type3A_26, %and3A_27 : vector<8192x128xi32>
      %or3A = arith.ori %shift_right_logical3A_25, %and3A_28 : vector<8192x128xi32>
      %swap3A = arith.constant 0 : index
      %swap3A_29 = arith.constant 0 : index
      %swap3A_30 = vector.load %arg8[%swap3A, %swap3A_29] : memref<8192x128xi32, #tpu.memory_space<vmem>>, vector<8192x128xi32>
      tpu.vector_store %arg8[%swap3A, %swap3A_29], %or3A {strides = array<i32>} : memref<8192x128xi32, #tpu.memory_space<vmem>>, vector<8192x128xi32>,
    } else {
    }
    return
  }
  func.func @transform_0(%arg0: i32) -> (i32, i32) {
    %min3A = arith.constant 61 : i32
    %min3A_0 = arith.minsi %arg0, %min3A : i32
    %c0_i32 = arith.constant 0 : i32
    %c0_i32_1 = arith.constant 0 : i32
    return %c0_i32, %min3A_0 : i32, i32
  }
  func.func @transform_1(%arg0: i32) -> (i32, i32) {
    %min3A = arith.constant 61 : i32
    %min3A_0 = arith.minsi %arg0, %min3A : i32
    %add3A = arith.constant 61 : i32
    %add3A_1 = arith.addi %min3A_0, %add3A : i32
    %c0_i32 = arith.constant 0 : i32
    %c0_i32_2 = arith.constant 0 : i32
    return %c0_i32, %add3A_1 : i32, i32
  }
  func.func @transform_2(%arg0: i32) -> (i32, i32) {
    %sub3A = arith.constant 62 : i32
    %sub3A_0 = arith.subi %arg0, %sub3A : i32
    %jit3A = arith.constant 0 : i32
    %jit3A_1 = arith.constant 6 : i32
    %max3A = arith.maxsi %jit3A, %sub3A_0 : i32
    %min3A = arith.minsi %jit3A_1, %max3A : i32
    %c0_i32 = arith.constant 0 : i32
    %c0_i32_2 = arith.constant 0 : i32
    return %c0_i32, %min3A : i32, i32
  }
  func.func @transform_3(%arg0: i32) -> (i32, i32) {
    %sub3A = arith.constant 62 : i32
    %sub3A_0 = arith.subi %arg0, %sub3A : i32
    %jit3A = arith.constant 0 : i32
    %jit3A_1 = arith.constant 6 : i32
    %max3A = arith.maxsi %jit3A, %sub3A_0 : i32
    %min3A = arith.minsi %jit3A_1, %max3A : i32
    %add3A = arith.constant 6 : i32
    %add3A_2 = arith.addi %min3A, %add3A : i32
    %c0_i32 = arith.constant 0 : i32
    %c0_i32_3 = arith.constant 0 : i32
    return %c0_i32, %add3A_2 : i32, i32
  }
  func.func @transform_4(%arg0: i32) -> (i32, i32) {
    %c0_i32 = arith.constant 0 : i32
    %c0_i32_0 = arith.constant 0 : i32
    %c0_i32_1 = arith.constant 0 : i32
    return %c0_i32, %c0_i32_0 : i32, i32
  }
  func.func @transform_5(%arg0: i32) -> (i32, i32) {
    %c0_i32 = arith.constant 0 : i32
    %c0_i32_0 = arith.constant 0 : i32
    %c0_i32_1 = arith.constant 0 : i32
    return %c0_i32, %c0_i32_0 : i32, i32
  }
  func.func @transform_6(%arg0: i32) -> (i32, i32) {
    %min3A = arith.constant 61 : i32
    %min3A_0 = arith.minsi %arg0, %min3A : i32
    %c0_i32 = arith.constant 0 : i32
    %c0_i32_1 = arith.constant 0 : i32
    return %min3A_0, %c0_i32 : i32, i32
  }
  func.func @transform_7(%arg0: i32) -> (i32, i32) {
    %sub3A = arith.constant 62 : i32
    %sub3A_0 = arith.subi %arg0, %sub3A : i32
    %jit3A = arith.constant 0 : i32
    %jit3A_1 = arith.constant 6 : i32
    %max3A = arith.maxsi %jit3A, %sub3A_0 : i32
    %min3A = arith.minsi %jit3A_1, %max3A : i32
    %c0_i32 = arith.constant 0 : i32
    %c0_i32_2 = arith.constant 0 : i32
    return %min3A, %c0_i32 : i32, i32
  }
}

module attributes {stable_mosaic.version = 14 : i64} {
  func.func @_tail_body(%arg0: i32, %arg1: memref<4096x128xi32, #tpu.memory_space<vmem>>, %arg2: memref<4096x128xi32, #tpu.memory_space<vmem>>, %arg3: memref<4096x128xi32, #tpu.memory_space<vmem>>, %arg4: memref<4096x1xi32, #tpu.memory_space<vmem>>, %arg5: memref<4096x1xi32, #tpu.memory_space<vmem>>, %arg6: memref<4096x1xi32, #tpu.memory_space<vmem>>, %arg7: memref<1x128xf32, #tpu.memory_space<vmem>>, %arg8: memref<128x128xf32, #tpu.memory_space<vmem>>, %arg9: memref<1x128xf32, #tpu.memory_space<vmem>>, %arg10: memref<1x128xf32, #tpu.memory_space<vmem>>, %arg11: memref<1x1xf32, #tpu.memory_space<vmem>>, %arg12: memref<4096xf32, #tpu.memory_space<vmem>>, %arg13: memref<4096xf32, #tpu.memory_space<vmem>>) attributes {dimension_semantics = [#tpu.dimension_semantics<parallel>], iteration_bounds = array<i64: 4>, scalar_prefetch = 0 : i64, scratch_operands = 0 : i64, tpu.core_type = #tpu.core_type<tc>, window_params = [{transform_indices = @transform_0, window_bounds = array<i64: 4096, 128>}, {transform_indices = @transform_1, window_bounds = array<i64: 4096, 128>}, {transform_indices = @transform_2, window_bounds = array<i64: 4096, 128>}, {transform_indices = @transform_3, window_bounds = array<i64: 4096, 1>}, {transform_indices = @transform_4, window_bounds = array<i64: 4096, 1>}, {transform_indices = @transform_5, window_bounds = array<i64: 4096, 1>}, {pipeline_mode = #tpu.pipeline_mode<synchronous>, transform_indices = @transform_6, window_bounds = array<i64: 1, 128>}, {pipeline_mode = #tpu.pipeline_mode<synchronous>, transform_indices = @transform_7, window_bounds = array<i64: 128, 128>}, {pipeline_mode = #tpu.pipeline_mode<synchronous>, transform_indices = @transform_8, window_bounds = array<i64: 1, 128>}, {pipeline_mode = #tpu.pipeline_mode<synchronous>, transform_indices = @transform_9, window_bounds = array<i64: 1, 128>}, {pipeline_mode = #tpu.pipeline_mode<synchronous>, transform_indices = @transform_10, window_bounds = array<i64: 1, 1>}, {transform_indices = @transform_11, window_bounds = array<i64: 4096>}, {transform_indices = @transform_12, window_bounds = array<i64: 4096>}]} {
    %get3A = arith.constant 0 : index
    %get3A_0 = arith.constant 0 : index
    %get3A_1 = vector.load %arg1[%get3A, %get3A_0] : memref<4096x128xi32, #tpu.memory_space<vmem>>, vector<4096x128xi32>
    %get3A_2 = arith.constant 0 : index
    %get3A_3 = arith.constant 0 : index
    %get3A_4 = vector.load %arg4[%get3A_2, %get3A_3] : memref<4096x1xi32, #tpu.memory_space<vmem>>, vector<4096x1xi32>
    %shift_left3A = arith.constant 16 : i32
    %shift_left3A_5 = vector.broadcast %shift_left3A : i32 to vector<4096x128xi32>
    %shift_left3A_6 = arith.shli %get3A_1, %shift_left3A_5 : vector<4096x128xi32>
    %bitcast_convert_type3A = tpu.bitcast %shift_left3A_6 : vector<4096x128xi32> -> vector<4096x128xf32>
    %and3A = arith.constant -65536 : i32
    %and3A_7 = vector.broadcast %and3A : i32 to vector<4096x128xi32>
    %and3A_8 = arith.andi %get3A_1, %and3A_7 : vector<4096x128xi32>
    %bitcast_convert_type3A_9 = tpu.bitcast %and3A_8 : vector<4096x128xi32> -> vector<4096x128xf32>
    %eq3A = arith.constant 1 : i32
    %eq3A_10 = vector.broadcast %eq3A : i32 to vector<4096x1xi32>
    %eq3A_11 = arith.cmpi eq, %get3A_4, %eq3A_10 : vector<4096x1xi32>
    %broadcast_in_dim3A = vector.shape_cast %eq3A_11 : vector<4096x1xi1> to vector<4096x1xi1>
    %broadcast_in_dim3A_12 = vector.broadcast %broadcast_in_dim3A : vector<4096x1xi1> to vector<4096x128xi1>
    %select_n3A = arith.select %broadcast_in_dim3A_12, %bitcast_convert_type3A_9, %bitcast_convert_type3A : vector<4096x128xi1>, vector<4096x128xf32>
    %get3A_13 = arith.constant 0 : index
    %get3A_14 = arith.constant 0 : index
    %get3A_15 = vector.load %arg7[%get3A_13, %get3A_14] : memref<1x128xf32, #tpu.memory_space<vmem>>, vector<1x128xf32>
    %add3A = vector.broadcast %get3A_15 : vector<1x128xf32> to vector<4096x128xf32>
    %add3A_16 = arith.addf %select_n3A, %add3A : vector<4096x128xf32>
    %get3A_17 = arith.constant 0 : index
    %get3A_18 = arith.constant 0 : index
    %get3A_19 = vector.load %arg8[%get3A_17, %get3A_18] : memref<128x128xf32, #tpu.memory_space<vmem>>, vector<128x128xf32>
    %get3A_20 = arith.constant 0 : index
    %get3A_21 = arith.constant 0 : index
    %get3A_22 = vector.load %arg9[%get3A_20, %get3A_21] : memref<1x128xf32, #tpu.memory_space<vmem>>, vector<1x128xf32>
    %get3A_23 = arith.constant 0 : index
    %get3A_24 = arith.constant 0 : index
    %get3A_25 = vector.load %arg10[%get3A_23, %get3A_24] : memref<1x128xf32, #tpu.memory_space<vmem>>, vector<1x128xf32>
    %get3A_26 = arith.constant 0 : index
    %get3A_27 = arith.constant 0 : index
    %get3A_28 = vector.load %arg11[%get3A_26, %get3A_27] : memref<1x1xf32, #tpu.memory_space<vmem>>, vector<1x1xf32>
    %get3A_29 = vector.extract %get3A_28[0, 0] : f32 from vector<1x1xf32>
    %get3A_30 = arith.constant 0 : index
    %get3A_31 = arith.constant 0 : index
    %get3A_32 = vector.load %arg2[%get3A_30, %get3A_31] : memref<4096x128xi32, #tpu.memory_space<vmem>>, vector<4096x128xi32>
    %get3A_33 = arith.constant 0 : index
    %get3A_34 = arith.constant 0 : index
    %get3A_35 = vector.load %arg5[%get3A_33, %get3A_34] : memref<4096x1xi32, #tpu.memory_space<vmem>>, vector<4096x1xi32>
    %shift_left3A_36 = arith.constant 16 : i32
    %shift_left3A_37 = vector.broadcast %shift_left3A_36 : i32 to vector<4096x128xi32>
    %shift_left3A_38 = arith.shli %get3A_32, %shift_left3A_37 : vector<4096x128xi32>
    %bitcast_convert_type3A_39 = tpu.bitcast %shift_left3A_38 : vector<4096x128xi32> -> vector<4096x128xf32>
    %and3A_40 = arith.constant -65536 : i32
    %and3A_41 = vector.broadcast %and3A_40 : i32 to vector<4096x128xi32>
    %and3A_42 = arith.andi %get3A_32, %and3A_41 : vector<4096x128xi32>
    %bitcast_convert_type3A_43 = tpu.bitcast %and3A_42 : vector<4096x128xi32> -> vector<4096x128xf32>
    %eq3A_44 = arith.constant 1 : i32
    %eq3A_45 = vector.broadcast %eq3A_44 : i32 to vector<4096x1xi32>
    %eq3A_46 = arith.cmpi eq, %get3A_35, %eq3A_45 : vector<4096x1xi32>
    %broadcast_in_dim3A_47 = vector.shape_cast %eq3A_46 : vector<4096x1xi1> to vector<4096x1xi1>
    %broadcast_in_dim3A_48 = vector.broadcast %broadcast_in_dim3A_47 : vector<4096x1xi1> to vector<4096x128xi1>
    %select_n3A_49 = arith.select %broadcast_in_dim3A_48, %bitcast_convert_type3A_43, %bitcast_convert_type3A_39 : vector<4096x128xi1>, vector<4096x128xf32>
    %add3A_50 = arith.addf %add3A_16, %select_n3A_49 : vector<4096x128xf32>
    %mul3A = arith.constant 5.000000e-01 : f32
    %mul3A_51 = vector.broadcast %mul3A : f32 to vector<4096x128xf32>
    %mul3A_52 = arith.mulf %mul3A_51, %add3A_50 : vector<4096x128xf32>
    %mul3A_53 = arith.constant 0.707106769 : f32
    %mul3A_54 = vector.broadcast %mul3A_53 : f32 to vector<4096x128xf32>
    %mul3A_55 = arith.mulf %add3A_50, %mul3A_54 : vector<4096x128xf32>
    %erf3A = math.erf %mul3A_55 : vector<4096x128xf32>
    %add3A_56 = arith.constant 1.000000e+00 : f32
    %add3A_57 = vector.broadcast %add3A_56 : f32 to vector<4096x128xf32>
    %add3A_58 = arith.addf %add3A_57, %erf3A : vector<4096x128xf32>
    %mul3A_59 = arith.mulf %mul3A_52, %add3A_58 : vector<4096x128xf32>
    %dot_general3A = arith.constant dense<0.000000e+00> : vector<4096x128xf32>
    %dot_general3A_60 = tpu.matmul %mul3A_59, %get3A_19, %dot_general3A {dimension_numbers = #tpu.dot_dimension_numbers<[1], [0], [0], [1], [0, 0, 1, 1], [], []>, transpose_lhs_hint = false} : vector<4096x128xf32>, vector<128x128xf32>, vector<4096x128xf32> -> vector<4096x128xf32>
    %add3A_61 = vector.broadcast %get3A_22 : vector<1x128xf32> to vector<4096x128xf32>
    %add3A_62 = arith.addf %dot_general3A_60, %add3A_61 : vector<4096x128xf32>
    %mul3A_63 = arith.constant 5.000000e-01 : f32
    %mul3A_64 = vector.broadcast %mul3A_63 : f32 to vector<4096x128xf32>
    %mul3A_65 = arith.mulf %mul3A_64, %add3A_62 : vector<4096x128xf32>
    %mul3A_66 = arith.constant 0.707106769 : f32
    %mul3A_67 = vector.broadcast %mul3A_66 : f32 to vector<4096x128xf32>
    %mul3A_68 = arith.mulf %add3A_62, %mul3A_67 : vector<4096x128xf32>
    %erf3A_69 = math.erf %mul3A_68 : vector<4096x128xf32>
    %add3A_70 = arith.constant 1.000000e+00 : f32
    %add3A_71 = vector.broadcast %add3A_70 : f32 to vector<4096x128xf32>
    %add3A_72 = arith.addf %add3A_71, %erf3A_69 : vector<4096x128xf32>
    %mul3A_73 = arith.mulf %mul3A_65, %add3A_72 : vector<4096x128xf32>
    %mul3A_74 = vector.broadcast %get3A_25 : vector<1x128xf32> to vector<4096x128xf32>
    %mul3A_75 = arith.mulf %mul3A_73, %mul3A_74 : vector<4096x128xf32>
    %reduce_sum3A = arith.constant dense<0.000000e+00> : vector<4096xf32>
    %reduce_sum3A_76 = vector.multi_reduction <add>, %mul3A_75, %reduce_sum3A [1] : vector<4096x128xf32> to vector<4096xf32>
    %add3A_77 = vector.broadcast %get3A_29 : f32 to vector<4096xf32>
    %add3A_78 = arith.addf %reduce_sum3A_76, %add3A_77 : vector<4096xf32>
    %swap3A = arith.constant 0 : index
    %swap3A_79 = vector.load %arg12[%swap3A] : memref<4096xf32, #tpu.memory_space<vmem>>, vector<4096xf32>
    tpu.vector_store %arg12[%swap3A], %add3A_78 {strides = array<i32>} : memref<4096xf32, #tpu.memory_space<vmem>>, vector<4096xf32>,
    %get3A_80 = arith.constant 0 : index
    %get3A_81 = arith.constant 0 : index
    %get3A_82 = vector.load %arg3[%get3A_80, %get3A_81] : memref<4096x128xi32, #tpu.memory_space<vmem>>, vector<4096x128xi32>
    %get3A_83 = arith.constant 0 : index
    %get3A_84 = arith.constant 0 : index
    %get3A_85 = vector.load %arg6[%get3A_83, %get3A_84] : memref<4096x1xi32, #tpu.memory_space<vmem>>, vector<4096x1xi32>
    %shift_left3A_86 = arith.constant 16 : i32
    %shift_left3A_87 = vector.broadcast %shift_left3A_86 : i32 to vector<4096x128xi32>
    %shift_left3A_88 = arith.shli %get3A_82, %shift_left3A_87 : vector<4096x128xi32>
    %bitcast_convert_type3A_89 = tpu.bitcast %shift_left3A_88 : vector<4096x128xi32> -> vector<4096x128xf32>
    %and3A_90 = arith.constant -65536 : i32
    %and3A_91 = vector.broadcast %and3A_90 : i32 to vector<4096x128xi32>
    %and3A_92 = arith.andi %get3A_82, %and3A_91 : vector<4096x128xi32>
    %bitcast_convert_type3A_93 = tpu.bitcast %and3A_92 : vector<4096x128xi32> -> vector<4096x128xf32>
    %eq3A_94 = arith.constant 1 : i32
    %eq3A_95 = vector.broadcast %eq3A_94 : i32 to vector<4096x1xi32>
    %eq3A_96 = arith.cmpi eq, %get3A_85, %eq3A_95 : vector<4096x1xi32>
    %broadcast_in_dim3A_97 = vector.shape_cast %eq3A_96 : vector<4096x1xi1> to vector<4096x1xi1>
    %broadcast_in_dim3A_98 = vector.broadcast %broadcast_in_dim3A_97 : vector<4096x1xi1> to vector<4096x128xi1>
    %select_n3A_99 = arith.select %broadcast_in_dim3A_98, %bitcast_convert_type3A_93, %bitcast_convert_type3A_89 : vector<4096x128xi1>, vector<4096x128xf32>
    %add3A_100 = arith.addf %add3A_16, %select_n3A_99 : vector<4096x128xf32>
    %mul3A_101 = arith.constant 5.000000e-01 : f32
    %mul3A_102 = vector.broadcast %mul3A_101 : f32 to vector<4096x128xf32>
    %mul3A_103 = arith.mulf %mul3A_102, %add3A_100 : vector<4096x128xf32>
    %mul3A_104 = arith.constant 0.707106769 : f32
    %mul3A_105 = vector.broadcast %mul3A_104 : f32 to vector<4096x128xf32>
    %mul3A_106 = arith.mulf %add3A_100, %mul3A_105 : vector<4096x128xf32>
    %erf3A_107 = math.erf %mul3A_106 : vector<4096x128xf32>
    %add3A_108 = arith.constant 1.000000e+00 : f32
    %add3A_109 = vector.broadcast %add3A_108 : f32 to vector<4096x128xf32>
    %add3A_110 = arith.addf %add3A_109, %erf3A_107 : vector<4096x128xf32>
    %mul3A_111 = arith.mulf %mul3A_103, %add3A_110 : vector<4096x128xf32>
    %dot_general3A_112 = arith.constant dense<0.000000e+00> : vector<4096x128xf32>
    %dot_general3A_113 = tpu.matmul %mul3A_111, %get3A_19, %dot_general3A_112 {dimension_numbers = #tpu.dot_dimension_numbers<[1], [0], [0], [1], [0, 0, 1, 1], [], []>, transpose_lhs_hint = false} : vector<4096x128xf32>, vector<128x128xf32>, vector<4096x128xf32> -> vector<4096x128xf32>
    %add3A_114 = vector.broadcast %get3A_22 : vector<1x128xf32> to vector<4096x128xf32>
    %add3A_115 = arith.addf %dot_general3A_113, %add3A_114 : vector<4096x128xf32>
    %mul3A_116 = arith.constant 5.000000e-01 : f32
    %mul3A_117 = vector.broadcast %mul3A_116 : f32 to vector<4096x128xf32>
    %mul3A_118 = arith.mulf %mul3A_117, %add3A_115 : vector<4096x128xf32>
    %mul3A_119 = arith.constant 0.707106769 : f32
    %mul3A_120 = vector.broadcast %mul3A_119 : f32 to vector<4096x128xf32>
    %mul3A_121 = arith.mulf %add3A_115, %mul3A_120 : vector<4096x128xf32>
    %erf3A_122 = math.erf %mul3A_121 : vector<4096x128xf32>
    %add3A_123 = arith.constant 1.000000e+00 : f32
    %add3A_124 = vector.broadcast %add3A_123 : f32 to vector<4096x128xf32>
    %add3A_125 = arith.addf %add3A_124, %erf3A_122 : vector<4096x128xf32>
    %mul3A_126 = arith.mulf %mul3A_118, %add3A_125 : vector<4096x128xf32>
    %mul3A_127 = vector.broadcast %get3A_25 : vector<1x128xf32> to vector<4096x128xf32>
    %mul3A_128 = arith.mulf %mul3A_126, %mul3A_127 : vector<4096x128xf32>
    %reduce_sum3A_129 = arith.constant dense<0.000000e+00> : vector<4096xf32>
    %reduce_sum3A_130 = vector.multi_reduction <add>, %mul3A_128, %reduce_sum3A_129 [1] : vector<4096x128xf32> to vector<4096xf32>
    %add3A_131 = vector.broadcast %get3A_29 : f32 to vector<4096xf32>
    %add3A_132 = arith.addf %reduce_sum3A_130, %add3A_131 : vector<4096xf32>
    %swap3A_133 = arith.constant 0 : index
    %swap3A_134 = vector.load %arg13[%swap3A_133] : memref<4096xf32, #tpu.memory_space<vmem>>, vector<4096xf32>
    tpu.vector_store %arg13[%swap3A_133], %add3A_132 {strides = array<i32>} : memref<4096xf32, #tpu.memory_space<vmem>>, vector<4096xf32>,
    return
  }
  func.func @transform_0(%arg0: i32) -> (i32, i32) {
    %c0_i32 = arith.constant 0 : i32
    %c0_i32_0 = arith.constant 0 : i32
    return %arg0, %c0_i32 : i32, i32
  }
  func.func @transform_1(%arg0: i32) -> (i32, i32) {
    %c0_i32 = arith.constant 0 : i32
    %c0_i32_0 = arith.constant 0 : i32
    return %arg0, %c0_i32 : i32, i32
  }
  func.func @transform_2(%arg0: i32) -> (i32, i32) {
    %c0_i32 = arith.constant 0 : i32
    %c0_i32_0 = arith.constant 0 : i32
    return %arg0, %c0_i32 : i32, i32
  }
  func.func @transform_3(%arg0: i32) -> (i32, i32) {
    %c0_i32 = arith.constant 0 : i32
    %c0_i32_0 = arith.constant 0 : i32
    return %arg0, %c0_i32 : i32, i32
  }
  func.func @transform_4(%arg0: i32) -> (i32, i32) {
    %c0_i32 = arith.constant 0 : i32
    %c0_i32_0 = arith.constant 0 : i32
    return %arg0, %c0_i32 : i32, i32
  }
  func.func @transform_5(%arg0: i32) -> (i32, i32) {
    %c0_i32 = arith.constant 0 : i32
    %c0_i32_0 = arith.constant 0 : i32
    return %arg0, %c0_i32 : i32, i32
  }
  func.func @transform_6(%arg0: i32) -> (i32, i32) {
    %c0_i32 = arith.constant 0 : i32
    %c0_i32_0 = arith.constant 0 : i32
    %c0_i32_1 = arith.constant 0 : i32
    return %c0_i32, %c0_i32_0 : i32, i32
  }
  func.func @transform_7(%arg0: i32) -> (i32, i32) {
    %c0_i32 = arith.constant 0 : i32
    %c0_i32_0 = arith.constant 0 : i32
    %c0_i32_1 = arith.constant 0 : i32
    return %c0_i32, %c0_i32_0 : i32, i32
  }
  func.func @transform_8(%arg0: i32) -> (i32, i32) {
    %c0_i32 = arith.constant 0 : i32
    %c0_i32_0 = arith.constant 0 : i32
    %c0_i32_1 = arith.constant 0 : i32
    return %c0_i32, %c0_i32_0 : i32, i32
  }
  func.func @transform_9(%arg0: i32) -> (i32, i32) {
    %c0_i32 = arith.constant 0 : i32
    %c0_i32_0 = arith.constant 0 : i32
    %c0_i32_1 = arith.constant 0 : i32
    return %c0_i32, %c0_i32_0 : i32, i32
  }
  func.func @transform_10(%arg0: i32) -> (i32, i32) {
    %c0_i32 = arith.constant 0 : i32
    %c0_i32_0 = arith.constant 0 : i32
    %c0_i32_1 = arith.constant 0 : i32
    return %c0_i32, %c0_i32_0 : i32, i32
  }
  func.func @transform_11(%arg0: i32) -> i32 {
    %c0_i32 = arith.constant 0 : i32
    return %arg0 : i32
  }
  func.func @transform_12(%arg0: i32) -> i32 {
    %c0_i32 = arith.constant 0 : i32
    return %arg0 : i32
  }
}

</mosaic_0001>

<sc_bundles>
// kernel: kernel.5.cloned.1.call-start
scs
__scs_entry_jumppad:
0x0: {  	(pc) =	sbr.rel $0x88, $3  }
0x1: {  	(tag) =	ssettag $0x0;
	lr =	simm.s32 $0x1  }
0x2: {  	[smem:$0x3F96] =	sst lr;
	_ =	strace $0xD0000000  }
0x3: {  	_ = 	snop  }
0x4: {  	_ = 	snop  }
0x5: {  	_ = 	snop  }
0x6: {  	_ = 	snop  }
0x7: {  	_ = 	snop  }
__scs_overlays_trampoline_lowered:
0x8: {  	[smem:$0x3FA5] =	sst s0  }
0x9: {  	[smem:$0x3FA6] =	sst s1  }
0xa: {  	[smem:$0x3FA7] =	sst s2  }
0xb: {  	[smem:$0x3FA8] =	sst s3  }
0xc: {  	[smem:$0x3FA9] =	sst s4  }
0xd: {  	[smem:$0x3FAA] =	sst s5  }
0xe: {  	[smem:$0x3FAB] =	sst s6  }
0xf: {  	[smem:$0x3FAC] =	sst s7  }
0x10: {  	[smem:$0x3FAD] =	sst s8  }
0x11: {  	[smem:$0x3FAE] =	sst s9;
	s0 =	simm.s32 @!p0 $0x0  }
0x12: {  	s1 =	sld [smem:$0x3F94];
	s0 =	simm.s32 @p0 $0x1  }
0x13: {  	[smem:$0x3FAF] =	sst s0;
	s0 =	simm.s32 @!p1 $0x0  }
0x14: {  	s2 =	sld [smem:$0x3F93];
	s0 =	simm.s32 @p1 $0x1  }
0x15: {  	[smem:$0x3FB0] =	sst s0;
	s0 =	simm.s32 @!p2 $0x0  }
0x16: {  	s3 =	sld [smem:$0x3FDB];
	s0 =	simm.s32 @p2 $0x1  }
0x17: {  	s4 =	simm.s32 $0x1BF5;
	[smem:$0x3FB2] =	sst s0  }
0x18: {  	s0 =	sld [smem:$0x3F95];
	_ =	swait.ge [sflag:s4], $0x0  }
0x19: {  	s7 =	sld [smem:$0x3F96]  }
0x1a: {  	s8 =	sadd.s32 $0xFFFFE003, lr  }
0x1b: {  	s9 =	sadd.s32 $0xFFFFFEF7, lr;
	s5 =	simm.s32 $0xFFFFFFFF;
	p2 =	slt.u32 s8, $0xFFFFF086  }
0x1c: {  	p1 =	slt.u32 s9, $0xF7A;
	s5 =	simm.s32 @!p2 $0x0  }
0x1d: {  	s5 =	simm.s32 @p1 $0x1;
	p0 =	seq.s32 s7, s2  }
0x1e: {  	s7 =	smul.u32 @!p0 $0xF7A, s2;
	p2 =	seq.s32 @!p0 s5, $0x0  }
0x1f: {  	s9 =	smul.u32 $0xF7A, s1;
	s8 =	simm.s32 @!p0 $0x1BF5;
	p2 =	por !p2, p0  }
0x20: {  	[sflag:s8] =	ssyncset.s32 @!p0 $0xFFFFF086;
	s6 =	sadd.s32 @!p0 s3, s7;
	s7 =	simm.s32 @!p0 $0x108  }
0x21: {  	s3 =	sadd.s32 s3, s9;
	s6 =	sadd.s32 @!p0 $0x88, s6;
	s7 =	simm.s32 @p2 $0x1082  }
0x22: {  	[simem:s7], [sflag:s8] =	dma.local @!p0 [hbm:s6], $0xF7A  }
0x23: {  	s9 =	sor.u32 $0xD0000000, s2;
	s6 =	simm.s32 $0x108;
	_ =	swait.ge @!p0 [sflag:s8], $0x0  }
0x24: {  	s3 =	sadd.s32 $0x88, s3;
	s6 =	simm.s32 @!p1 $0x1082;
	[sflag:s4] =	ssyncset.s32 $0xFFFFF086  }
0x25: {  	[simem:s6], [sflag:s4] =	dma.local [hbm:s3], $0xF7A  }
0x26: {  	[smem:$0x3F96] =	sst s1;
	(tag) =	ssettag s2;
	_ =	strace s9  }
0x27: {  	s1 =	sld [smem:$0x3FA6]  }
0x28: {  	s2 =	sld [smem:$0x3FA7]  }
0x29: {  	s4 =	sld [smem:$0x3FA9]  }
0x2a: {  	p0 =	seq.s32 s5, $0x0;
	s5 =	sld [smem:$0x3FAA]  }
0x2b: {  	s6 =	sld [smem:$0x3FAB]  }
0x2c: {  	s7 =	sld [smem:$0x3FAC]  }
0x2d: {  	s3 =	simm.s32 $0x108;
	s8 =	sld [smem:$0x3FAD]  }
0x2e: {  	s3 =	simm.s32 @!p0 $0x1082;
	s9 =	sld [smem:$0x3FAE]  }
0x2f: {  	lr =	sadd.s32 s0, s3;
	s0 =	sld [smem:$0x3FA5]  }
0x30: {  	s3 =	sld [smem:$0x3FA8]  }
0x31: {  	[smem:$0x3FB1] =	sst s10  }
0x32: {  	s10 =	sld [smem:$0x3FAF];
	_ =	sdelay $0x3  }
0x33: {  	p0 =	seq.s32 s10, $0x1;
	s10 =	sld [smem:$0x3FB1];
	_ =	sdelay $0x3  }
0x34: {  	[smem:$0x3FB1] =	sst s10  }
0x35: {  	s10 =	sld [smem:$0x3FB0];
	_ =	sdelay $0x3  }
0x36: {  	p1 =	seq.s32 s10, $0x1;
	s10 =	sld [smem:$0x3FB1];
	_ =	sdelay $0x3  }
0x37: {  	[smem:$0x3FB1] =	sst s10  }
0x38: {  	s10 =	sld [smem:$0x3FB2]  }
0x39: {  	_ = 	snop;
	(pc) =	sbr.ind lr, $3  }
0x3a: {  	_ = 	snop  }
0x3b: {  	_ = 	snop  }
0x3c: {  	p2 =	seq.s32 s10, $0x1;
	s10 =	sld [smem:$0x3FB1]  }
0x3d: {  	_ =	shalt  }
0x3e: {  	_ =	shalt  }
0x3f: {  	_ =	shalt  }
0x40: {  	_ =	shalt  }
0x41: {  	_ =	shalt  }
0x42: {  	_ =	shalt  }
0x43: {  	_ =	shalt  }
0x44: {  	_ =	shalt  }
0x45: {  	_ =	shalt  }
0x46: {  	_ =	shalt  }
0x47: {  	_ =	shalt  }
0x48: {  	_ =	shalt  }
0x49: {  	_ =	shalt  }
0x4a: {  	_ =	shalt  }
0x4b: {  	_ =	shalt  }
0x4c: {  	_ =	shalt  }
0x4d: {  	_ =	shalt  }
0x4e: {  	_ =	shalt  }
0x4f: {  	_ =	shalt  }
0x50: {  	_ =	shalt  }
0x51: {  	_ =	shalt  }
0x52: {  	_ =	shalt  }
0x53: {  	_ =	shalt  }
0x54: {  	_ =	shalt  }
0x55: {  	_ =	shalt  }
0x56: {  	_ =	shalt  }
0x57: {  	_ =	shalt  }
0x58: {  	_ =	shalt  }
0x59: {  	_ =	shalt  }
0x5a: {  	_ =	shalt  }
0x5b: {  	_ =	shalt  }
0x5c: {  	_ =	shalt  }
0x5d: {  	_ =	shalt  }
0x5e: {  	_ =	shalt  }
0x5f: {  	_ =	shalt  }
0x60: {  	_ =	shalt  }
0x61: {  	_ =	shalt  }
0x62: {  	_ =	shalt  }
0x63: {  	_ =	shalt  }
0x64: {  	_ =	shalt  }
0x65: {  	_ =	shalt  }
0x66: {  	_ =	shalt  }
0x67: {  	_ =	shalt  }
0x68: {  	_ =	shalt  }
0x69: {  	_ =	shalt  }
0x6a: {  	_ =	shalt  }
0x6b: {  	_ =	shalt  }
0x6c: {  	_ =	shalt  }
0x6d: {  	_ =	shalt  }
0x6e: {  	_ =	shalt  }
0x6f: {  	_ =	shalt  }
0x70: {  	_ =	shalt  }
0x71: {  	_ =	shalt  }
0x72: {  	_ =	shalt  }
0x73: {  	_ =	shalt  }
0x74: {  	_ =	shalt  }
0x75: {  	_ =	shalt  }
0x76: {  	_ =	shalt  }
0x77: {  	_ =	shalt  }
0x78: {  	_ =	shalt  }
0x79: {  	_ =	shalt  }
0x7a: {  	_ =	shalt  }
0x7b: {  	_ =	shalt  }
0x7c: {  	_ =	shalt  }
0x7d: {  	_ =	shalt  }
0x7e: {  	_ =	shalt  }
0x7f: {  	_ =	shalt  }
0x80: {  	_ =	shalt  }
0x81: {  	_ =	shalt  }
0x82: {  	_ =	shalt  }
0x83: {  	_ =	shalt  }
0x84: {  	_ =	shalt  }
0x85: {  	_ =	shalt  }
0x86: {  	_ =	shalt  }
0x87: {  	_ =	shalt  }
.Lfunc_end0:
.L_simem_size_0:
called_computation_lowered:
.L_overlay_start_0:
0x88: {  	s2 =	sld [smem:$0x3FD9]  }
0x89: {  	s3 =	sld [smem:$0x3FFE];
	_ =	sdelay $0x1  }
0x8a: {  	s1 =	srdreg.scid  }
0x8b: {  	s0 =	sand.u32 $0x1, s1  }
0x8c: {  	s14 =	sshll.u32 s0, $0xA;
	s2 =	sadd.s32 s3, s2  }
0x8d: {  	s2 =	sadd.s32 s2, s14  }
0x8e: {  	[smem:$0x3FBD] =	sst s2  }
0x8f: {  	_ = 	snop  }
0x90: {  	s2 =	sld [smem:$0x3FD0];
	_ =	sdelay $0x2  }
0x91: {  	s15 =	simm.s32 $0xA;
	s4 =	simm.s32 $0x10  }
0x92: {  	[smem:s4], [sflag:s15] =	dma.local [hbm:s2], $0x1  }
0x93: {  	_ =	swait.eq [sflag:s15], $0x1  }
0x94: {  	[sflag:s15] =	ssyncset.done $0x0  }
0x95: {  	s16 =	sld [smem:$0x10];
	[sflag:s15] =	ssyncadd.s32 $0xFFFFFFFF  }
0x96: {  	s17 =	sld [smem:$0x11];
	(tm) =	ssettm $0x1  }
0x97: {  	s18 =	sld [smem:$0x3FFB];
	_ =	sdelay $0x3  }
0x98: {  	_ =	strace s18  }
0x99: {  	s4 =	sld [smem:$0x3FFC];
	_ =	sdelay $0x3  }
0x9a: {  	_ =	strace s4  }
0x9b: {  	s4 =	sld [smem:$0x3FFD];
	_ =	sdelay $0x3  }
0x9c: {  	_ =	strace s4  }
0x9d: {  	_ =	strace $0x8FFFFFFF  }
0x9e: {  	s19 =	sld [smem:$0x3FDB];
	_ =	sdelay $0x1  }
0x9f: {  	s5 =	simm.s32 $_scs_section_size  }
0xa0: {  	s6 =	simm.s32 $_size__tile_overlayer_lowered;
	s7 =	simm.s32 $_tile_overlayer_lowered  }
0xa1: {  	s22 =	simm.s32 $0x1BFF;
	s21 =	sshll.u32 s7, $0x1;
	s4 =	sadd.s32 s5, s19  }
0xa2: {  	s8 =	simm.s32 $0x0;
	s20 =	sshll.u32 s6, $0x1;
	s6 =	sadd.s32 s21, s4  }
0xa3: {  	[timem:s8], [sflag:s22] =	dma.local [hbm:s6], s20  }
0xa4: {  	_ =	swait.ge [sflag:s22], s20  }
0xa5: {  	s5 =	ssub.s32 $0x0, s20;
	[sflag:s22] =	ssyncset.done $0x0  }
0xa6: {  	[sflag:s22] =	ssyncadd.s32 s5;
	_ =	sdelay $0x1  }
0xa7: {  	s23 =	simm.s32 $0x1B8B  }
0xa8: {  	_ =	swait.ge [sflag:s23], $0x1  }
0xa9: {  	[sflag:s23] =	ssyncset.done $0x0  }
0xaa: {  	s25 =	simm.s32 $0x1B8E;
	s24 =	sld [smem:$0x3FFE];
	[sflag:s23] =	ssyncadd.s32 $0xFFFFFFFF  }
0xab: {  	s26 =	simm.s32 $execute0_lowered;
	[smem:$0x3FD2] =	sst s25  }
0xac: {  	s6 =	sshll.u32 s26, $0x1;
	_ =	strace $0x80000046;
	[dreg:$0x1] =	wrdreg $0xFFFFFFFF  }
0xad: {  	s28 =	simm.s32 $_size_execute0_lowered;
	s4 =	sadd.s32 s4, s6;
	[dreg:$0x0] =	wrdreg $0x0  }
0xae: {  	s6 =	sshll.u32 s28, $0x1;
	[dreg:$0x2] =	wrdreg s4  }
0xaf: {  	[dreg:$0x3] =	wrdreg s6  }
0xb0: {  	[dreg:$0x4] =	wrdreg $0xC0  }
0xb1: {  	_ =	task [dreg:s8], $0x5FFFF  }
0xb2: {  	[dreg:$0x1] =	wrdreg $0xFFFFFFFF  }
0xb3: {  	[dreg:$0x0] =	wrdreg $0x60  }
0xb4: {  	[dreg:$0x2] =	wrdreg s17  }
0xb5: {  	[dreg:$0x3] =	wrdreg s24  }
0xb6: {  	[dreg:$0x4] =	wrdreg s16  }
0xb7: {  	[dreg:$0x5] =	wrdreg $0x9  }
0xb8: {  	_ =	task.clear_ibuf [dreg:s8], $0x6FFFF;
	_ =	strace $0x90000046  }
0xb9: {  	s29 =	simm.s32 $0x9;
	_ =	strace $0x80000048  }
0xba: {  	_ =	swait.ge [sflag:s29], $0x1  }
0xbb: {  	[sflag:s29] =	ssyncadd.s32 $0xFFFFFFFF  }
0xbc: {  	_ =	strace $0x90000048  }
0xbd: {  	_ =	sfence  }
0xbe: {  	s30 =	sld [smem:$0x0];
	_ =	sdelay $0x2  }
0xbf: {  	s31 =	sshll.u32 s1, $0xD;
	s1 =	sshrl.u32 s1, $0x2  }
0xc0: {  	s3 =	sand.u32 $0x4000, s31;
	s1 =	sadd.s32 s1, s30  }
0xc1: {  	s0 =	sor.u32 s3, s0;
	s1 =	sshll.u32 s1, $0x11  }
0xc2: {  	s0 =	sor.u32 s1, s0  }
0xc3: {  	s0 =	sadd.s32 $0x8F2B, s0  }
0xc4: {  	[sflag:s0] =	ssyncadd.remote.s32 $0x1  }
0xc5: {  	_ =	sfence.sel $0xFFFF  }
0xc6: {  	[dreg:$0x0] =	wrdreg $0xFFFFFFFF;
	(pc) =	sbr.abs _section_cstart, $3  }
0xc7: {  	[dreg:$0x1] =	wrdreg $0xFFFFFFFF  }
0xc8: {  	_ =	task.clear_ibuf [dreg:s8], $0x2FFFF;
	_ =	strace $0x9FFFFFFF  }
0xc9: {  	(tm) =	ssettm $0x7FFFFFFF  }
tec
execute0_lowered:
.L_overlay_start_1:
0x0: {  	(tag) =	ssettag $0x1  }
0x1: {  	s0 =	rddreg [dreg:$0x0]  }
0x2: {  	s1 =	rddreg [dreg:$0x1]  }
0x3: {  	s5 =	rddreg [dreg:$0x2]  }
0x4: {  	s20 =	rddreg [dreg:$0x3];
	s3 =	srdreg.scid  }
0x5: {  	s2 =	simm.s32 $0x0;
	s11 =	stileid.u32;
	s29 =	simm.s32 $0x3  }
0x6: {  	s28 =	simm.s32 $0x200;
	s26 =	simm.s32 $0x400;
	s31 =	simm.s32 $0x480  }
0x7: {  	p0 =	por $0x0, $0x0;
	s30 =	simm.s32 $0x580;
	s6 =	sand.u32 $0x1, s3  }
0x8: {  	[smem:$0x7FF] =	sst s2;
	s7 =	sshll.u32 s11, $0x7;
	s9 =	sadd.s32 $0x86B600, s1  }
0x9: {  	s3 =	sadd.s32 $0x2800, s1;
	s10 =	sadd.s32 $0x8AB600, s1;
	s11 =	sshll.u32 s11, $0xE  }
0xa: {  	s4 =	sshll.u32 s6, $0x6;
	_ =	strace $0x80000047;
	s12 =	sshll.u32 s6, $0xD  }
0xb: {  	s6 =	ssub.s32 $0x2, s6;
	s7 =	sor.u32 s4, s7;
	s4 =	sadd.s32 $0x7A4C00, s1  }
0xc: {  	s11 =	sor.u32 s12, s11;
	s17 =	sshrl.u32 s6, $0x1;
	s8 =	sadd.s32 s7, s1  }
0xd: {  	s0 =	sadd.s32 s0, s7;
	s12 =	sadd.s32 s5, s7;
	s13 =	sadd.s32 s9, s11  }
0xe: {  	s14 =	sor.u32 $0x800, s11;
	s1 =	sadd.s32 $0x8EB600, s1;
	s16 =	sadd.s32 s10, s11  }
0xf: {  	s19 =	ssub.s32 s6, s17;
	s23 =	sor.u32 $0x1000, s11;
	[dreg:$0x4] =	wrdreg s0  }
0x10: {  	s24 =	sor.u32 $0x1800, s11;
	s17 =	simm.s32 $0x14600;
	[dreg:$0x6] =	wrdreg s12  }
0x11: {  	s5 =	simm.s32 $0x2;
	s8 =	sadd.s32 $0x2000, s8;
	[dreg:$0x7] =	wrdreg s13  }
0x12: {  	s15 =	sadd.s32 s9, s14;
	[dreg:$0x9] =	wrdreg s16;
	s18 =	sadd.s32 s10, s14  }
0x13: {  	s21 =	sadd.s32 s1, s11;
	s22 =	sadd.s32 s1, s14;
	s6 =	sadd.s32 s9, s23  }
0x14: {  	s7 =	sadd.s32 s9, s24;
	s9 =	sadd.s32 s10, s24;
	s11 =	sadd.s32 s1, s24  }
0x15: {  	s25 =	smax.u32 s19, $0x1;
	s19 =	simm.s32 $0x80;
	[dreg:$0x5] =	wrdreg s8  }
0x16: {  	s12 =	simm.s32 $0x600;
	s13 =	simm.s32 $0x4600;
	[dreg:$0x8] =	wrdreg s15  }
0x17: {  	s14 =	simm.s32 $0x8600;
	[dreg:$0xa] =	wrdreg s18;
	p1 =	sne.s32 s25, $0x1  }
.Ltmp0:
0x18: {  	s16 =	simm.s32 $0x10600;
	[dreg:$0xb] =	wrdreg s21;
	(pc) =	sbr.rel @!p1 .LBB2_1-.Ltmp0, $4  }
0x19: {  	s24 =	simm.s32 $0x380;
	[dreg:$0xc] =	wrdreg s22;
	s8 =	sadd.s32 s10, s23  }
0x1a: {  	s10 =	sadd.s32 s1, s23;
	s15 =	simm.s32 $0xC600;
	s18 =	simm.s32 $0x1  }
0x1b: {  	s0 =	sadd.s32 $0xFFFFFFFF, s25;
	s21 =	simm.s32 $0x100;
	s22 =	simm.s32 $0x180  }
0x1c: {  	s23 =	simm.s32 $0x300;
	s25 =	simm.s32 $0x500;
	s1 =	rddreg [dreg:$0x4]  }
0x1d: {  	[tilespmem:s2], [sflag:$0x3] =	stream.linear.gather [hbm4b:s1+s2], $0x200, $0x38;
	[tilespmem:$0x18600] =	vst v63  }
0x1e: {  	_ =	swait.ge [sflag:s29], $0x200  }
0x1f: {  	[sflag:s29] =	ssyncset.done $0x0  }
0x20: {  	s20 =	rddreg [dreg:$0x5];
	[sflag:s29] =	ssyncadd.s32 $0xFFFFFE00  }
0x21: {  	[tilespmem:s28], [sflag:$0x3] =	stream.linear.gather [hbm4b:s20+s2], $0x200, $0x38;
	[tilespmem:$0x18600] =	vst v63  }
0x22: {  	_ =	swait.ge [sflag:s29], $0x200  }
0x23: {  	[sflag:s29] =	ssyncset.done $0x0  }
0x24: {  	s20 =	rddreg [dreg:$0x6];
	[sflag:s29] =	ssyncadd.s32 $0xFFFFFE00  }
0x25: {  	[tilespmem:s26], [sflag:$0x3] =	stream.linear.gather [hbm4b:s20+s2], $0x200, $0x38;
	[tilespmem:$0x18600] =	vst v63  }
0x26: {  	_ =	swait.ge [sflag:s29], $0x200  }
0x27: {  	[sflag:s29] =	ssyncset.done $0x0  }
0x28: {  	[sflag:s29] =	ssyncadd.s32 $0xFFFFFE00  }
0x29: {  	[tilespmem:s12], [sflag:$0x1] =	stream.indirect.gather [hbm4b:s4+s19], $0x80, s2, s19, $0xb8;
	[tilespmem:$0x18600] =	vst v63  }
0x2a: {  	_ = 	snop  }
0x2b: {  	[tilespmem:s13], [sflag:$0x1] =	stream.indirect.gather [hbm4b:s4+s19], $0x80, s19, s19, $0xb8;
	[tilespmem:$0x18600] =	vst v63  }
0x2c: {  	_ = 	snop  }
0x2d: {  	[tilespmem:s14], [sflag:$0x1] =	stream.indirect.gather [hbm4b:s3+s19], $0x80, s28, s19, $0xb8;
	[tilespmem:$0x18600] =	vst v63  }
0x2e: {  	s1 =	simm.s32 $0x280  }
0x2f: {  	[tilespmem:s15], [sflag:$0x1] =	stream.indirect.gather [hbm4b:s3+s19], $0x80, s1, s19, $0xb8;
	[tilespmem:$0x18600] =	vst v63  }
0x30: {  	_ = 	snop  }
0x31: {  	[tilespmem:s16], [sflag:$0x1] =	stream.indirect.gather [hbm4b:s3+s19], $0x80, s26, s19, $0xb8;
	[tilespmem:$0x18600] =	vst v63  }
0x32: {  	_ = 	snop  }
0x33: {  	[tilespmem:s17], [sflag:$0x1] =	stream.indirect.gather [hbm4b:s3+s19], $0x80, s31, s19, $0xb8;
	[tilespmem:$0x18600] =	vst v63  }
0x34: {  	_ =	swait.ge [sflag:s18], $0x4000  }
0x35: {  	[sflag:s18] =	ssyncset.done $0x0  }
0x36: {  	[sflag:s18] =	ssyncadd.s32 $0xFFFFC000  }
0x37: {  	_ =	swait.ge [sflag:s18], $0x4000  }
0x38: {  	[sflag:s18] =	ssyncset.done $0x0  }
0x39: {  	[sflag:s18] =	ssyncadd.s32 $0xFFFFC000  }
0x3a: {  	_ =	swait.ge [sflag:s18], $0x4000  }
0x3b: {  	[sflag:s18] =	ssyncset.done $0x0  }
0x3c: {  	[sflag:s18] =	ssyncadd.s32 $0xFFFFC000  }
0x3d: {  	_ =	swait.ge [sflag:s18], $0x4000  }
0x3e: {  	[sflag:s18] =	ssyncset.done $0x0  }
0x3f: {  	[sflag:s18] =	ssyncadd.s32 $0xFFFFC000  }
0x40: {  	_ =	swait.ge [sflag:s18], $0x4000  }
0x41: {  	[sflag:s18] =	ssyncset.done $0x0  }
0x42: {  	[sflag:s18] =	ssyncadd.s32 $0xFFFFC000  }
0x43: {  	_ =	swait.ge [sflag:s18], $0x4000  }
0x44: {  	[sflag:s18] =	ssyncset.done $0x0  }
0x45: {  	s1 =	rddreg [dreg:$0x7];
	[sflag:s18] =	ssyncadd.s32 $0xFFFFC000  }
0x46: {  	[hbm4b:s1+s2] =	stream.linear.scatter [tilespmem:s12], [sflag:$0x2], $0x4000, $0x38;
	[tilespmem:$0x18600] =	vst v63  }
0x47: {  	s20 =	smov.u32 s0;
	s0 =	rddreg [dreg:$0x8]  }
0x48: {  	[hbm4b:s0+s2] =	stream.linear.scatter [tilespmem:s13], [sflag:$0x2], $0x4000, $0x38;
	[tilespmem:$0x18600] =	vst v63  }
0x49: {  	s1 =	rddreg [dreg:$0x9]  }
0x4a: {  	[hbm4b:s1+s2] =	stream.linear.scatter [tilespmem:s14], [sflag:$0x2], $0x4000, $0x38;
	[tilespmem:$0x18600] =	vst v63  }
0x4b: {  	s0 =	rddreg [dreg:$0xa]  }
0x4c: {  	[hbm4b:s0+s2] =	stream.linear.scatter [tilespmem:s15], [sflag:$0x2], $0x4000, $0x38;
	[tilespmem:$0x18600] =	vst v63  }
0x4d: {  	s1 =	rddreg [dreg:$0xb]  }
0x4e: {  	[hbm4b:s1+s2] =	stream.linear.scatter [tilespmem:s16], [sflag:$0x2], $0x4000, $0x38;
	[tilespmem:$0x18600] =	vst v63  }
0x4f: {  	s0 =	rddreg [dreg:$0xc]  }
0x50: {  	[hbm4b:s0+s2] =	stream.linear.scatter [tilespmem:s17], [sflag:$0x2], $0x4000, $0x38;
	[tilespmem:$0x18600] =	vst v63  }
0x51: {  	_ =	swait.ge [sflag:s5], $0x4000  }
0x52: {  	[sflag:s5] =	ssyncset.done $0x0  }
0x53: {  	[sflag:s5] =	ssyncadd.s32 $0xFFFFC000  }
0x54: {  	_ =	swait.ge [sflag:s5], $0x4000  }
0x55: {  	[sflag:s5] =	ssyncset.done $0x0  }
0x56: {  	[sflag:s5] =	ssyncadd.s32 $0xFFFFC000  }
0x57: {  	_ =	swait.ge [sflag:s5], $0x4000  }
0x58: {  	[sflag:s5] =	ssyncset.done $0x0  }
0x59: {  	[sflag:s5] =	ssyncadd.s32 $0xFFFFC000  }
0x5a: {  	_ =	swait.ge [sflag:s5], $0x4000  }
0x5b: {  	[sflag:s5] =	ssyncset.done $0x0  }
0x5c: {  	[sflag:s5] =	ssyncadd.s32 $0xFFFFC000  }
0x5d: {  	_ =	swait.ge [sflag:s5], $0x4000  }
0x5e: {  	[sflag:s5] =	ssyncset.done $0x0  }
0x5f: {  	[sflag:s5] =	ssyncadd.s32 $0xFFFFC000  }
0x60: {  	_ =	swait.ge [sflag:s5], $0x4000  }
0x61: {  	[sflag:s5] =	ssyncset.done $0x0  }
0x62: {  	[sflag:s5] =	ssyncadd.s32 $0xFFFFC000  }
0x63: {  	[tilespmem:s12], [sflag:$0x1] =	stream.indirect.gather [hbm4b:s4+s19], $0x80, s21, s19, $0xb8;
	[tilespmem:$0x18600] =	vst v63  }
0x64: {  	_ = 	snop  }
0x65: {  	[tilespmem:s13], [sflag:$0x1] =	stream.indirect.gather [hbm4b:s4+s19], $0x80, s22, s19, $0xb8;
	[tilespmem:$0x18600] =	vst v63  }
0x66: {  	_ = 	snop  }
0x67: {  	[tilespmem:s14], [sflag:$0x1] =	stream.indirect.gather [hbm4b:s3+s19], $0x80, s23, s19, $0xb8;
	[tilespmem:$0x18600] =	vst v63  }
0x68: {  	_ = 	snop  }
0x69: {  	[tilespmem:s15], [sflag:$0x1] =	stream.indirect.gather [hbm4b:s3+s19], $0x80, s24, s19, $0xb8;
	[tilespmem:$0x18600] =	vst v63  }
0x6a: {  	_ = 	snop  }
0x6b: {  	[tilespmem:s16], [sflag:$0x1] =	stream.indirect.gather [hbm4b:s3+s19], $0x80, s25, s19, $0xb8;
	[tilespmem:$0x18600] =	vst v63  }
0x6c: {  	_ = 	snop  }
0x6d: {  	[tilespmem:s17], [sflag:$0x1] =	stream.indirect.gather [hbm4b:s3+s19], $0x80, s30, s19, $0xb8;
	[tilespmem:$0x18600] =	vst v63  }
0x6e: {  	_ =	swait.ge [sflag:s18], $0x4000  }
0x6f: {  	[sflag:s18] =	ssyncset.done $0x0  }
0x70: {  	[sflag:s18] =	ssyncadd.s32 $0xFFFFC000  }
0x71: {  	_ =	swait.ge [sflag:s18], $0x4000  }
0x72: {  	[sflag:s18] =	ssyncset.done $0x0  }
0x73: {  	[sflag:s18] =	ssyncadd.s32 $0xFFFFC000  }
0x74: {  	_ =	swait.ge [sflag:s18], $0x4000  }
0x75: {  	[sflag:s18] =	ssyncset.done $0x0  }
0x76: {  	[sflag:s18] =	ssyncadd.s32 $0xFFFFC000  }
0x77: {  	_ =	swait.ge [sflag:s18], $0x4000  }
0x78: {  	[sflag:s18] =	ssyncset.done $0x0  }
0x79: {  	[sflag:s18] =	ssyncadd.s32 $0xFFFFC000  }
0x7a: {  	_ =	swait.ge [sflag:s18], $0x4000  }
0x7b: {  	[sflag:s18] =	ssyncset.done $0x0  }
0x7c: {  	[sflag:s18] =	ssyncadd.s32 $0xFFFFC000  }
0x7d: {  	_ =	swait.ge [sflag:s18], $0x4000  }
0x7e: {  	[sflag:s18] =	ssyncset.done $0x0  }
0x7f: {  	[sflag:s18] =	ssyncadd.s32 $0xFFFFC000  }
0x80: {  	[hbm4b:s6+s2] =	stream.linear.scatter [tilespmem:s12], [sflag:$0x2], $0x4000, $0x38;
	[tilespmem:$0x18600] =	vst v63  }
0x81: {  	_ = 	snop  }
0x82: {  	[hbm4b:s7+s2] =	stream.linear.scatter [tilespmem:s13], [sflag:$0x2], $0x4000, $0x38;
	[tilespmem:$0x18600] =	vst v63  }
0x83: {  	_ = 	snop  }
0x84: {  	[hbm4b:s8+s2] =	stream.linear.scatter [tilespmem:s14], [sflag:$0x2], $0x4000, $0x38;
	[tilespmem:$0x18600] =	vst v63  }
0x85: {  	_ = 	snop  }
0x86: {  	[hbm4b:s9+s2] =	stream.linear.scatter [tilespmem:s15], [sflag:$0x2], $0x4000, $0x38;
	[tilespmem:$0x18600] =	vst v63  }
0x87: {  	_ = 	snop  }
0x88: {  	[hbm4b:s10+s2] =	stream.linear.scatter [tilespmem:s16], [sflag:$0x2], $0x4000, $0x38;
	[tilespmem:$0x18600] =	vst v63  }
0x89: {  	_ = 	snop  }
0x8a: {  	[hbm4b:s11+s2] =	stream.linear.scatter [tilespmem:s17], [sflag:$0x2], $0x4000, $0x38;
	[tilespmem:$0x18600] =	vst v63  }
0x8b: {  	_ =	swait.ge [sflag:s5], $0x4000  }
0x8c: {  	[sflag:s5] =	ssyncset.done $0x0  }
0x8d: {  	[sflag:s5] =	ssyncadd.s32 $0xFFFFC000  }
0x8e: {  	_ =	swait.ge [sflag:s5], $0x4000  }
0x8f: {  	[sflag:s5] =	ssyncset.done $0x0  }
0x90: {  	[sflag:s5] =	ssyncadd.s32 $0xFFFFC000  }
0x91: {  	_ =	swait.ge [sflag:s5], $0x4000  }
0x92: {  	[sflag:s5] =	ssyncset.done $0x0  }
0x93: {  	[sflag:s5] =	ssyncadd.s32 $0xFFFFC000  }
0x94: {  	_ =	swait.ge [sflag:s5], $0x4000  }
0x95: {  	[sflag:s5] =	ssyncset.done $0x0  }
0x96: {  	p1 =	sne.s32 s20, $0x1;
	[sflag:s5] =	ssyncadd.s32 $0xFFFFC000  }
.Ltmp1:
0x97: {  	_ =	swait.ge [sflag:s5], $0x4000;
	(pc) =	sbr.rel @!p1 .LBB2_3-.Ltmp1, $4  }
0x98: {  	[sflag:s5] =	ssyncset.done $0x0  }
0x99: {  	[sflag:s5] =	ssyncadd.s32 $0xFFFFC000  }
0x9a: {  	p0 =	por $0x1, $0x1;
	_ =	swait.ge [sflag:s5], $0x4000  }
0x9b: {  	s0 =	sadd.s32 $0xFFFFFFFF, s20;
	s1 =	rddreg [dreg:$0x4];
	[sflag:s5] =	ssyncset.done $0x0  }
.LBB2_4:
0x9c: {  	[sflag:s5] =	ssyncadd.s32 $0xFFFFC000  }
0x9d: {  	[tilespmem:s2], [sflag:$0x3] =	stream.linear.gather [hbm4b:s1+s2], $0x200, $0x38;
	[tilespmem:$0x18600] =	vst v63  }
0x9e: {  	_ =	swait.ge [sflag:s29], $0x200  }
0x9f: {  	[sflag:s29] =	ssyncset.done $0x0  }
0xa0: {  	s20 =	rddreg [dreg:$0x5];
	[sflag:s29] =	ssyncadd.s32 $0xFFFFFE00  }
0xa1: {  	[tilespmem:s28], [sflag:$0x3] =	stream.linear.gather [hbm4b:s20+s2], $0x200, $0x38;
	[tilespmem:$0x18600] =	vst v63  }
0xa2: {  	_ =	swait.ge [sflag:s29], $0x200  }
0xa3: {  	[sflag:s29] =	ssyncset.done $0x0  }
0xa4: {  	s20 =	rddreg [dreg:$0x6];
	[sflag:s29] =	ssyncadd.s32 $0xFFFFFE00  }
0xa5: {  	[tilespmem:s26], [sflag:$0x3] =	stream.linear.gather [hbm4b:s20+s2], $0x200, $0x38;
	[tilespmem:$0x18600] =	vst v63  }
0xa6: {  	_ =	swait.ge [sflag:s29], $0x200  }
0xa7: {  	[sflag:s29] =	ssyncset.done $0x0  }
0xa8: {  	[sflag:s29] =	ssyncadd.s32 $0xFFFFFE00  }
0xa9: {  	[tilespmem:s12], [sflag:$0x1] =	stream.indirect.gather [hbm4b:s4+s19], $0x80, s2, s19, $0xb8;
	[tilespmem:$0x18600] =	vst v63  }
0xaa: {  	_ = 	snop  }
0xab: {  	[tilespmem:s13], [sflag:$0x1] =	stream.indirect.gather [hbm4b:s4+s19], $0x80, s19, s19, $0xb8;
	[tilespmem:$0x18600] =	vst v63  }
0xac: {  	_ = 	snop  }
0xad: {  	[tilespmem:s14], [sflag:$0x1] =	stream.indirect.gather [hbm4b:s3+s19], $0x80, s28, s19, $0xb8;
	[tilespmem:$0x18600] =	vst v63  }
0xae: {  	s20 =	simm.s32 $0x280  }
0xaf: {  	[tilespmem:s15], [sflag:$0x1] =	stream.indirect.gather [hbm4b:s3+s19], $0x80, s20, s19, $0xb8;
	[tilespmem:$0x18600] =	vst v63  }
0xb0: {  	_ = 	snop  }
0xb1: {  	[tilespmem:s16], [sflag:$0x1] =	stream.indirect.gather [hbm4b:s3+s19], $0x80, s26, s19, $0xb8;
	[tilespmem:$0x18600] =	vst v63  }
0xb2: {  	_ = 	snop  }
0xb3: {  	[tilespmem:s17], [sflag:$0x1] =	stream.indirect.gather [hbm4b:s3+s19], $0x80, s31, s19, $0xb8;
	[tilespmem:$0x18600] =	vst v63  }
0xb4: {  	_ =	swait.ge [sflag:s18], $0x4000  }
0xb5: {  	[sflag:s18] =	ssyncset.done $0x0  }
0xb6: {  	[sflag:s18] =	ssyncadd.s32 $0xFFFFC000  }
0xb7: {  	_ =	swait.ge [sflag:s18], $0x4000  }
0xb8: {  	[sflag:s18] =	ssyncset.done $0x0  }
0xb9: {  	[sflag:s18] =	ssyncadd.s32 $0xFFFFC000  }
0xba: {  	_ =	swait.ge [sflag:s18], $0x4000  }
0xbb: {  	[sflag:s18] =	ssyncset.done $0x0  }
0xbc: {  	[sflag:s18] =	ssyncadd.s32 $0xFFFFC000  }
0xbd: {  	_ =	swait.ge [sflag:s18], $0x4000  }
0xbe: {  	[sflag:s18] =	ssyncset.done $0x0  }
0xbf: {  	[sflag:s18] =	ssyncadd.s32 $0xFFFFC000  }
0xc0: {  	_ =	swait.ge [sflag:s18], $0x4000  }
0xc1: {  	[sflag:s18] =	ssyncset.done $0x0  }
0xc2: {  	[sflag:s18] =	ssyncadd.s32 $0xFFFFC000  }
0xc3: {  	_ =	swait.ge [sflag:s18], $0x4000  }
0xc4: {  	[sflag:s18] =	ssyncset.done $0x0  }
0xc5: {  	s1 =	rddreg [dreg:$0x7];
	[sflag:s18] =	ssyncadd.s32 $0xFFFFC000  }
0xc6: {  	[hbm4b:s1+s2] =	stream.linear.scatter [tilespmem:s12], [sflag:$0x2], $0x4000, $0x38;
	[tilespmem:$0x18600] =	vst v63  }
0xc7: {  	s20 =	rddreg [dreg:$0x8]  }
0xc8: {  	[hbm4b:s20+s2] =	stream.linear.scatter [tilespmem:s13], [sflag:$0x2], $0x4000, $0x38;
	[tilespmem:$0x18600] =	vst v63  }
0xc9: {  	s1 =	rddreg [dreg:$0x9]  }
0xca: {  	[hbm4b:s1+s2] =	stream.linear.scatter [tilespmem:s14], [sflag:$0x2], $0x4000, $0x38;
	[tilespmem:$0x18600] =	vst v63  }
0xcb: {  	s20 =	rddreg [dreg:$0xa]  }
0xcc: {  	[hbm4b:s20+s2] =	stream.linear.scatter [tilespmem:s15], [sflag:$0x2], $0x4000, $0x38;
	[tilespmem:$0x18600] =	vst v63  }
0xcd: {  	s1 =	rddreg [dreg:$0xb]  }
0xce: {  	[hbm4b:s1+s2] =	stream.linear.scatter [tilespmem:s16], [sflag:$0x2], $0x4000, $0x38;
	[tilespmem:$0x18600] =	vst v63  }
0xcf: {  	s20 =	rddreg [dreg:$0xc]  }
0xd0: {  	[hbm4b:s20+s2] =	stream.linear.scatter [tilespmem:s17], [sflag:$0x2], $0x4000, $0x38;
	[tilespmem:$0x18600] =	vst v63  }
0xd1: {  	_ =	swait.ge [sflag:s5], $0x4000  }
0xd2: {  	[sflag:s5] =	ssyncset.done $0x0  }
0xd3: {  	[sflag:s5] =	ssyncadd.s32 $0xFFFFC000  }
0xd4: {  	_ =	swait.ge [sflag:s5], $0x4000  }
0xd5: {  	[sflag:s5] =	ssyncset.done $0x0  }
0xd6: {  	[sflag:s5] =	ssyncadd.s32 $0xFFFFC000  }
0xd7: {  	_ =	swait.ge [sflag:s5], $0x4000  }
0xd8: {  	[sflag:s5] =	ssyncset.done $0x0  }
0xd9: {  	[sflag:s5] =	ssyncadd.s32 $0xFFFFC000  }
0xda: {  	_ =	swait.ge [sflag:s5], $0x4000  }
0xdb: {  	[sflag:s5] =	ssyncset.done $0x0  }
0xdc: {  	[sflag:s5] =	ssyncadd.s32 $0xFFFFC000  }
0xdd: {  	_ =	swait.ge [sflag:s5], $0x4000  }
0xde: {  	[sflag:s5] =	ssyncset.done $0x0  }
0xdf: {  	[sflag:s5] =	ssyncadd.s32 $0xFFFFC000  }
0xe0: {  	_ =	swait.ge [sflag:s5], $0x4000  }
0xe1: {  	[sflag:s5] =	ssyncset.done $0x0  }
0xe2: {  	[sflag:s5] =	ssyncadd.s32 $0xFFFFC000  }
0xe3: {  	[tilespmem:s12], [sflag:$0x1] =	stream.indirect.gather [hbm4b:s4+s19], $0x80, s21, s19, $0xb8;
	[tilespmem:$0x18600] =	vst v63  }
0xe4: {  	_ = 	snop  }
0xe5: {  	[tilespmem:s13], [sflag:$0x1] =	stream.indirect.gather [hbm4b:s4+s19], $0x80, s22, s19, $0xb8;
	[tilespmem:$0x18600] =	vst v63  }
0xe6: {  	_ = 	snop  }
0xe7: {  	[tilespmem:s14], [sflag:$0x1] =	stream.indirect.gather [hbm4b:s3+s19], $0x80, s23, s19, $0xb8;
	[tilespmem:$0x18600] =	vst v63  }
0xe8: {  	_ = 	snop  }
0xe9: {  	[tilespmem:s15], [sflag:$0x1] =	stream.indirect.gather [hbm4b:s3+s19], $0x80, s24, s19, $0xb8;
	[tilespmem:$0x18600] =	vst v63  }
0xea: {  	_ = 	snop  }
0xeb: {  	[tilespmem:s16], [sflag:$0x1] =	stream.indirect.gather [hbm4b:s3+s19], $0x80, s25, s19, $0xb8;
	[tilespmem:$0x18600] =	vst v63  }
0xec: {  	_ = 	snop  }
0xed: {  	[tilespmem:s17], [sflag:$0x1] =	stream.indirect.gather [hbm4b:s3+s19], $0x80, s30, s19, $0xb8;
	[tilespmem:$0x18600] =	vst v63  }
0xee: {  	_ =	swait.ge [sflag:s18], $0x4000  }
0xef: {  	[sflag:s18] =	ssyncset.done $0x0  }
0xf0: {  	[sflag:s18] =	ssyncadd.s32 $0xFFFFC000  }
0xf1: {  	_ =	swait.ge [sflag:s18], $0x4000  }
0xf2: {  	[sflag:s18] =	ssyncset.done $0x0  }
0xf3: {  	[sflag:s18] =	ssyncadd.s32 $0xFFFFC000  }
0xf4: {  	_ =	swait.ge [sflag:s18], $0x4000  }
0xf5: {  	[sflag:s18] =	ssyncset.done $0x0  }
0xf6: {  	[sflag:s18] =	ssyncadd.s32 $0xFFFFC000  }
0xf7: {  	_ =	swait.ge [sflag:s18], $0x4000  }
0xf8: {  	[sflag:s18] =	ssyncset.done $0x0  }
0xf9: {  	[sflag:s18] =	ssyncadd.s32 $0xFFFFC000  }
0xfa: {  	_ =	swait.ge [sflag:s18], $0x4000  }
0xfb: {  	[sflag:s18] =	ssyncset.done $0x0  }
0xfc: {  	[sflag:s18] =	ssyncadd.s32 $0xFFFFC000  }
0xfd: {  	_ =	swait.ge [sflag:s18], $0x4000  }
0xfe: {  	[sflag:s18] =	ssyncset.done $0x0  }
0xff: {  	[sflag:s18] =	ssyncadd.s32 $0xFFFFC000  }
0x100: {  	[hbm4b:s6+s2] =	stream.linear.scatter [tilespmem:s12], [sflag:$0x2], $0x4000, $0x38;
	[tilespmem:$0x18600] =	vst v63  }
0x101: {  	_ = 	snop  }
0x102: {  	[hbm4b:s7+s2] =	stream.linear.scatter [tilespmem:s13], [sflag:$0x2], $0x4000, $0x38;
	[tilespmem:$0x18600] =	vst v63  }
0x103: {  	_ = 	snop  }
0x104: {  	[hbm4b:s8+s2] =	stream.linear.scatter [tilespmem:s14], [sflag:$0x2], $0x4000, $0x38;
	[tilespmem:$0x18600] =	vst v63  }
0x105: {  	_ = 	snop  }
0x106: {  	[hbm4b:s9+s2] =	stream.linear.scatter [tilespmem:s15], [sflag:$0x2], $0x4000, $0x38;
	[tilespmem:$0x18600] =	vst v63  }
0x107: {  	_ = 	snop  }
0x108: {  	[hbm4b:s10+s2] =	stream.linear.scatter [tilespmem:s16], [sflag:$0x2], $0x4000, $0x38;
	[tilespmem:$0x18600] =	vst v63  }
0x109: {  	_ = 	snop  }
0x10a: {  	[hbm4b:s11+s2] =	stream.linear.scatter [tilespmem:s17], [sflag:$0x2], $0x4000, $0x38;
	[tilespmem:$0x18600] =	vst v63  }
0x10b: {  	_ =	swait.ge [sflag:s5], $0x4000  }
0x10c: {  	[sflag:s5] =	ssyncset.done $0x0  }
0x10d: {  	[sflag:s5] =	ssyncadd.s32 $0xFFFFC000  }
0x10e: {  	_ =	swait.ge [sflag:s5], $0x4000  }
0x10f: {  	[sflag:s5] =	ssyncset.done $0x0  }
0x110: {  	[sflag:s5] =	ssyncadd.s32 $0xFFFFC000  }
0x111: {  	_ =	swait.ge [sflag:s5], $0x4000  }
0x112: {  	[sflag:s5] =	ssyncset.done $0x0  }
0x113: {  	[sflag:s5] =	ssyncadd.s32 $0xFFFFC000  }
0x114: {  	_ =	swait.ge [sflag:s5], $0x4000  }
0x115: {  	[sflag:s5] =	ssyncset.done $0x0  }
0x116: {  	p1 =	sne.s32 s0, $0x1;
	[sflag:s5] =	ssyncadd.s32 $0xFFFFC000  }
.Ltmp2:
0x117: {  	_ =	swait.ge [sflag:s5], $0x4000;
	(pc) =	sbr.rel @p1 .LBB2_4-.Ltmp2, $4  }
0x118: {  	[sflag:s5] =	ssyncset.done $0x0  }
0x119: {  	[sflag:s5] =	ssyncadd.s32 $0xFFFFC000  }
0x11a: {  	_ =	swait.ge [sflag:s5], $0x4000  }
0x11b: {  	s0 =	sadd.s32 $0xFFFFFFFF, s0;
	s1 =	rddreg [dreg:$0x4];
	[sflag:s5] =	ssyncset.done $0x0  }
0x11c: {  	s30 =	simm.s32 $0x480;
	s31 =	simm.s32 $0x280  }
0x11d: {  	s25 =	simm.s32 $0x500;
	s24 =	simm.s32 $0x380;
	s23 =	simm.s32 $0x300  }
0x11e: {  	s22 =	simm.s32 $0x180;
	s21 =	simm.s32 $0x100;
	s20 =	rddreg [dreg:$0x3]  }
.LBB2_6:
0x11f: {  	[sflag:s5] =	ssyncadd.s32 @p0 $0xFFFFC000  }
0x120: {  	[tilespmem:s2], [sflag:$0x3] =	stream.linear.gather [hbm4b:s1+s2], $0x200, $0x38;
	[tilespmem:$0x18600] =	vst v63  }
0x121: {  	_ =	swait.ge [sflag:s29], $0x200  }
0x122: {  	[sflag:s29] =	ssyncset.done $0x0  }
0x123: {  	s0 =	rddreg [dreg:$0x5];
	[sflag:s29] =	ssyncadd.s32 $0xFFFFFE00  }
0x124: {  	[tilespmem:s28], [sflag:$0x3] =	stream.linear.gather [hbm4b:s0+s2], $0x200, $0x38;
	[tilespmem:$0x18600] =	vst v63  }
0x125: {  	_ =	swait.ge [sflag:s29], $0x200  }
0x126: {  	[sflag:s29] =	ssyncset.done $0x0  }
0x127: {  	s1 =	rddreg [dreg:$0x6];
	[sflag:s29] =	ssyncadd.s32 $0xFFFFFE00  }
0x128: {  	[tilespmem:s26], [sflag:$0x3] =	stream.linear.gather [hbm4b:s1+s2], $0x200, $0x38;
	[tilespmem:$0x18600] =	vst v63  }
0x129: {  	_ =	swait.ge [sflag:s29], $0x200  }
0x12a: {  	[sflag:s29] =	ssyncset.done $0x0  }
0x12b: {  	[sflag:s29] =	ssyncadd.s32 $0xFFFFFE00  }
0x12c: {  	[tilespmem:s12], [sflag:$0x1] =	stream.indirect.gather [hbm4b:s4+s19], $0x80, s2, s19, $0xb8;
	[tilespmem:$0x18600] =	vst v63  }
0x12d: {  	_ = 	snop  }
0x12e: {  	[tilespmem:s13], [sflag:$0x1] =	stream.indirect.gather [hbm4b:s4+s19], $0x80, s19, s19, $0xb8;
	[tilespmem:$0x18600] =	vst v63  }
0x12f: {  	_ = 	snop  }
0x130: {  	[tilespmem:s14], [sflag:$0x1] =	stream.indirect.gather [hbm4b:s3+s19], $0x80, s28, s19, $0xb8;
	[tilespmem:$0x18600] =	vst v63  }
0x131: {  	_ = 	snop  }
0x132: {  	[tilespmem:s15], [sflag:$0x1] =	stream.indirect.gather [hbm4b:s3+s19], $0x80, s31, s19, $0xb8;
	[tilespmem:$0x18600] =	vst v63  }
0x133: {  	_ = 	snop  }
0x134: {  	[tilespmem:s16], [sflag:$0x1] =	stream.indirect.gather [hbm4b:s3+s19], $0x80, s26, s19, $0xb8;
	[tilespmem:$0x18600] =	vst v63  }
0x135: {  	_ = 	snop  }
0x136: {  	[tilespmem:s17], [sflag:$0x1] =	stream.indirect.gather [hbm4b:s3+s19], $0x80, s30, s19, $0xb8;
	[tilespmem:$0x18600] =	vst v63  }
0x137: {  	_ =	swait.ge [sflag:s18], $0x4000  }
0x138: {  	[sflag:s18] =	ssyncset.done $0x0  }
0x139: {  	[sflag:s18] =	ssyncadd.s32 $0xFFFFC000  }
0x13a: {  	_ =	swait.ge [sflag:s18], $0x4000  }
0x13b: {  	[sflag:s18] =	ssyncset.done $0x0  }
0x13c: {  	[sflag:s18] =	ssyncadd.s32 $0xFFFFC000  }
0x13d: {  	_ =	swait.ge [sflag:s18], $0x4000  }
0x13e: {  	[sflag:s18] =	ssyncset.done $0x0  }
0x13f: {  	[sflag:s18] =	ssyncadd.s32 $0xFFFFC000  }
0x140: {  	_ =	swait.ge [sflag:s18], $0x4000  }
0x141: {  	[sflag:s18] =	ssyncset.done $0x0  }
0x142: {  	[sflag:s18] =	ssyncadd.s32 $0xFFFFC000  }
0x143: {  	_ =	swait.ge [sflag:s18], $0x4000  }
0x144: {  	[sflag:s18] =	ssyncset.done $0x0  }
0x145: {  	[sflag:s18] =	ssyncadd.s32 $0xFFFFC000  }
0x146: {  	_ =	swait.ge [sflag:s18], $0x4000  }
0x147: {  	[sflag:s18] =	ssyncset.done $0x0  }
0x148: {  	s29 =	rddreg [dreg:$0x7];
	[sflag:s18] =	ssyncadd.s32 $0xFFFFC000  }
0x149: {  	[hbm4b:s29+s2] =	stream.linear.scatter [tilespmem:s12], [sflag:$0x2], $0x4000, $0x38;
	[tilespmem:$0x18600] =	vst v63  }
0x14a: {  	s30 =	rddreg [dreg:$0x8]  }
0x14b: {  	[hbm4b:s30+s2] =	stream.linear.scatter [tilespmem:s13], [sflag:$0x2], $0x4000, $0x38;
	[tilespmem:$0x18600] =	vst v63  }
0x14c: {  	s31 =	rddreg [dreg:$0x9]  }
0x14d: {  	[hbm4b:s31+s2] =	stream.linear.scatter [tilespmem:s14], [sflag:$0x2], $0x4000, $0x38;
	[tilespmem:$0x18600] =	vst v63  }
0x14e: {  	s26 =	rddreg [dreg:$0xa]  }
0x14f: {  	[hbm4b:s26+s2] =	stream.linear.scatter [tilespmem:s15], [sflag:$0x2], $0x4000, $0x38;
	[tilespmem:$0x18600] =	vst v63  }
0x150: {  	s28 =	rddreg [dreg:$0xb]  }
0x151: {  	[hbm4b:s28+s2] =	stream.linear.scatter [tilespmem:s16], [sflag:$0x2], $0x4000, $0x38;
	[tilespmem:$0x18600] =	vst v63  }
0x152: {  	s29 =	rddreg [dreg:$0xc]  }
0x153: {  	[hbm4b:s29+s2] =	stream.linear.scatter [tilespmem:s17], [sflag:$0x2], $0x4000, $0x38;
	[tilespmem:$0x18600] =	vst v63  }
0x154: {  	_ =	swait.ge [sflag:s5], $0x4000  }
0x155: {  	[sflag:s5] =	ssyncset.done $0x0  }
0x156: {  	[sflag:s5] =	ssyncadd.s32 $0xFFFFC000  }
0x157: {  	_ =	swait.ge [sflag:s5], $0x4000  }
0x158: {  	[sflag:s5] =	ssyncset.done $0x0  }
0x159: {  	[sflag:s5] =	ssyncadd.s32 $0xFFFFC000  }
0x15a: {  	_ =	swait.ge [sflag:s5], $0x4000  }
0x15b: {  	[sflag:s5] =	ssyncset.done $0x0  }
0x15c: {  	[sflag:s5] =	ssyncadd.s32 $0xFFFFC000  }
0x15d: {  	_ =	swait.ge [sflag:s5], $0x4000  }
0x15e: {  	[sflag:s5] =	ssyncset.done $0x0  }
0x15f: {  	[sflag:s5] =	ssyncadd.s32 $0xFFFFC000  }
0x160: {  	_ =	swait.ge [sflag:s5], $0x4000  }
0x161: {  	[sflag:s5] =	ssyncset.done $0x0  }
0x162: {  	[sflag:s5] =	ssyncadd.s32 $0xFFFFC000  }
0x163: {  	_ =	swait.ge [sflag:s5], $0x4000  }
0x164: {  	[sflag:s5] =	ssyncset.done $0x0  }
0x165: {  	[sflag:s5] =	ssyncadd.s32 $0xFFFFC000  }
0x166: {  	[tilespmem:s12], [sflag:$0x1] =	stream.indirect.gather [hbm4b:s4+s19], $0x80, s21, s19, $0xb8;
	[tilespmem:$0x18600] =	vst v63  }
0x167: {  	_ = 	snop  }
0x168: {  	[tilespmem:s13], [sflag:$0x1] =	stream.indirect.gather [hbm4b:s4+s19], $0x80, s22, s19, $0xb8;
	[tilespmem:$0x18600] =	vst v63  }
0x169: {  	_ = 	snop  }
0x16a: {  	[tilespmem:s14], [sflag:$0x1] =	stream.indirect.gather [hbm4b:s3+s19], $0x80, s23, s19, $0xb8;
	[tilespmem:$0x18600] =	vst v63  }
0x16b: {  	_ = 	snop  }
0x16c: {  	[tilespmem:s15], [sflag:$0x1] =	stream.indirect.gather [hbm4b:s3+s19], $0x80, s24, s19, $0xb8;
	[tilespmem:$0x18600] =	vst v63  }
0x16d: {  	_ = 	snop  }
0x16e: {  	[tilespmem:s16], [sflag:$0x1] =	stream.indirect.gather [hbm4b:s3+s19], $0x80, s25, s19, $0xb8;
	[tilespmem:$0x18600] =	vst v63  }
0x16f: {  	s30 =	simm.s32 $0x580  }
0x170: {  	[tilespmem:s17], [sflag:$0x1] =	stream.indirect.gather [hbm4b:s3+s19], $0x80, s30, s19, $0xb8;
	[tilespmem:$0x18600] =	vst v63  }
0x171: {  	_ =	swait.ge [sflag:s18], $0x4000  }
0x172: {  	[sflag:s18] =	ssyncset.done $0x0  }
0x173: {  	[sflag:s18] =	ssyncadd.s32 $0xFFFFC000  }
0x174: {  	_ =	swait.ge [sflag:s18], $0x4000  }
0x175: {  	[sflag:s18] =	ssyncset.done $0x0  }
0x176: {  	[sflag:s18] =	ssyncadd.s32 $0xFFFFC000  }
0x177: {  	_ =	swait.ge [sflag:s18], $0x4000  }
0x178: {  	[sflag:s18] =	ssyncset.done $0x0  }
0x179: {  	[sflag:s18] =	ssyncadd.s32 $0xFFFFC000  }
0x17a: {  	_ =	swait.ge [sflag:s18], $0x4000  }
0x17b: {  	[sflag:s18] =	ssyncset.done $0x0  }
0x17c: {  	[sflag:s18] =	ssyncadd.s32 $0xFFFFC000  }
0x17d: {  	_ =	swait.ge [sflag:s18], $0x4000  }
0x17e: {  	[sflag:s18] =	ssyncset.done $0x0  }
0x17f: {  	[sflag:s18] =	ssyncadd.s32 $0xFFFFC000  }
0x180: {  	_ =	swait.ge [sflag:s18], $0x4000  }
0x181: {  	[sflag:s18] =	ssyncset.done $0x0  }
0x182: {  	[sflag:s18] =	ssyncadd.s32 $0xFFFFC000  }
0x183: {  	[hbm4b:s6+s2] =	stream.linear.scatter [tilespmem:s12], [sflag:$0x2], $0x4000, $0x38;
	[tilespmem:$0x18600] =	vst v63  }
0x184: {  	_ = 	snop  }
0x185: {  	[hbm4b:s7+s2] =	stream.linear.scatter [tilespmem:s13], [sflag:$0x2], $0x4000, $0x38;
	[tilespmem:$0x18600] =	vst v63  }
0x186: {  	_ = 	snop  }
0x187: {  	[hbm4b:s8+s2] =	stream.linear.scatter [tilespmem:s14], [sflag:$0x2], $0x4000, $0x38;
	[tilespmem:$0x18600] =	vst v63  }
0x188: {  	_ = 	snop  }
0x189: {  	[hbm4b:s9+s2] =	stream.linear.scatter [tilespmem:s15], [sflag:$0x2], $0x4000, $0x38;
	[tilespmem:$0x18600] =	vst v63  }
0x18a: {  	_ = 	snop  }
0x18b: {  	[hbm4b:s10+s2] =	stream.linear.scatter [tilespmem:s16], [sflag:$0x2], $0x4000, $0x38;
	[tilespmem:$0x18600] =	vst v63  }
0x18c: {  	_ = 	snop  }
0x18d: {  	[hbm4b:s11+s2] =	stream.linear.scatter [tilespmem:s17], [sflag:$0x2], $0x4000, $0x38;
	[tilespmem:$0x18600] =	vst v63  }
0x18e: {  	_ =	swait.ge [sflag:s5], $0x4000  }
0x18f: {  	[sflag:s5] =	ssyncset.done $0x0  }
0x190: {  	[sflag:s5] =	ssyncadd.s32 $0xFFFFC000  }
0x191: {  	_ =	swait.ge [sflag:s5], $0x4000  }
0x192: {  	[sflag:s5] =	ssyncset.done $0x0  }
0x193: {  	[sflag:s5] =	ssyncadd.s32 $0xFFFFC000  }
0x194: {  	_ =	swait.ge [sflag:s5], $0x4000  }
0x195: {  	[sflag:s5] =	ssyncset.done $0x0  }
0x196: {  	[sflag:s5] =	ssyncadd.s32 $0xFFFFC000  }
0x197: {  	_ =	swait.ge [sflag:s5], $0x4000  }
0x198: {  	[sflag:s5] =	ssyncset.done $0x0  }
0x199: {  	[sflag:s5] =	ssyncadd.s32 $0xFFFFC000  }
0x19a: {  	_ =	swait.ge [sflag:s5], $0x4000  }
0x19b: {  	[sflag:s5] =	ssyncset.done $0x0  }
0x19c: {  	[sflag:s5] =	ssyncadd.s32 $0xFFFFC000  }
0x19d: {  	_ =	swait.ge [sflag:s5], $0x4000  }
0x19e: {  	[sflag:s5] =	ssyncset.done $0x0  }
0x19f: {  	[sflag:s5] =	ssyncadd.s32 $0xFFFFC000  }
0x1a0: {  	_ =	sfence.sel $0x180000  }
0x1a1: {  	s31 =	stileid.u32;
	[bflag:$0x0] =	sbarrier.arrive $0xFFFF  }
0x1a2: {  	p0 =	sne.s32 s31, $0x0;
	_ =	strace $0x90000047  }
0x1a3: {  	s0 =	sadd.s32 @!p0 $0x100000, s20;
	[bflag:$0x2] =	sbarrier.arrive $0xFFFF  }
0x1a4: {  	[sflag:s0] =	ssyncadd.tile.s32 @!p0 $0x1;
	_ =	shalt  }
.LBB2_1:
.Ltmp3:
0x1a5: {  	(pc) =	sbr.rel .LBB2_6-.Ltmp3, $4  }
0x1a6: {  	_ = 	snop  }
0x1a7: {  	s30 =	simm.s32 $0x480  }
0x1a8: {  	s31 =	simm.s32 $0x280;
	s25 =	simm.s32 $0x500;
	s24 =	simm.s32 $0x380  }
0x1a9: {  	s23 =	simm.s32 $0x300;
	s22 =	simm.s32 $0x180;
	s21 =	simm.s32 $0x100  }
.LBB2_3:
.Ltmp4:
0x1aa: {  	(pc) =	sbr.rel .LBB2_6-.Ltmp4, $4  }
0x1ab: {  	_ = 	snop  }
0x1ac: {  	s30 =	simm.s32 $0x480;
	s31 =	simm.s32 $0x280  }
0x1ad: {  	s25 =	simm.s32 $0x500;
	s24 =	simm.s32 $0x380;
	s23 =	simm.s32 $0x300  }
0x1ae: {  	s22 =	simm.s32 $0x180;
	s21 =	simm.s32 $0x100;
	s20 =	rddreg [dreg:$0x3]  }
.Lfunc_end2:
_tile_overlayer_lowered:
.L_overlay_start_2:
0x1af: {  	(tag) =	ssettag $0x2  }
0x1b0: {  	s0 =	rddreg [dreg:$0x0];
	s2 =	stileid.u32  }
0x1b1: {  	s1 =	rddreg [dreg:$0x1];
	p0 =	sne.s32 s2, $0x0  }
0x1b2: {  	s3 =	rddreg [dreg:$0x2];
	[bflag:$0x3] =	sbarrier.arrive $0xFFFF;
	s2 =	simm.s32 @!p0 $0x1C03  }
0x1b3: {  	[timem:s3], [sflag:s2] =	dma.local @!p0 [hbm:s0], s1  }
0x1b4: {  	s0 =	simm.s32 @!p0 $0x3  }
0x1b5: {  	_ =	swait.ge @!p0 [sflag:s0], s1  }
0x1b6: {  	s1 =	ssub.s32 @!p0 $0x0, s1;
	[sflag:s0] =	ssyncset.done @!p0 $0x0  }
0x1b7: {  	[sflag:s0] =	ssyncadd.s32 @!p0 s1  }
0x1b8: {  	[bflag:$0x3] =	sbarrier.arrive $0xFFFF  }
0x1b9: {  	_ =	shalt  }

</sc_bundles>
